<compile_context>
chip_gen: v7x
topology: tpu7x:2x2x1
jax: 0.10.2.dev20260603
libtpu: 0.0.44.dev20260713+nightly
codegen_flags: <defaults>
</compile_context>

<pallas_src>
import jax
import jax.numpy as jnp
from jax import lax
from jax.experimental import pallas as pl
from jax.experimental.pallas import tpu as pltpu
from jax.experimental.pallas import tpu_sc as plsc

N_FEATS = 32
BATCH = 16384
NUM_CORES = 2
NUM_SUBCORES = 16
LANES = 16
NUM_WORKERS = NUM_CORES * NUM_SUBCORES
BPW = BATCH // NUM_WORKERS
IDX_CHUNK = 128
N_CHUNKS = BPW // IDX_CHUNK


def _mf_body(user_hbm, item_hbm, gb_hbm, ub_hbm, ib_hbm, ue_hbm, ie_hbm,
             out_hbm,
             uidx_v, iidx_v, urows_v, irows_v,
             ub_v, ib_v, out_v, gb_v, sem):
    wid = lax.axis_index("s") * NUM_CORES + lax.axis_index("c")
    base = wid * BPW

    pltpu.sync_copy(gb_hbm, gb_v)
    for k in range(N_CHUNKS):
        off = base + k * IDX_CHUNK
        pltpu.sync_copy(user_hbm.at[pl.ds(off, IDX_CHUNK)], uidx_v.at[k])
        pltpu.sync_copy(item_hbm.at[pl.ds(off, IDX_CHUNK)], iidx_v.at[k])

    for k in range(N_CHUNKS):
        dst = pl.ds(k * IDX_CHUNK, IDX_CHUNK)
        pltpu.async_copy(ub_hbm.at[uidx_v.at[k]], ub_v.at[dst], sem)
        pltpu.async_copy(ib_hbm.at[iidx_v.at[k]], ib_v.at[dst], sem)
        pltpu.async_copy(ue_hbm.at[uidx_v.at[k]], urows_v.at[dst], sem)
        pltpu.async_copy(ie_hbm.at[iidx_v.at[k]], irows_v.at[dst], sem)

    pltpu.make_async_copy(ub_hbm.at[pl.ds(0, BPW)], ub_v, sem).wait()
    pltpu.make_async_copy(ib_hbm.at[pl.ds(0, BPW)], ib_v, sem).wait()
    pltpu.make_async_copy(ue_hbm.at[pl.ds(0, BPW)], urows_v, sem).wait()
    pltpu.make_async_copy(ie_hbm.at[pl.ds(0, BPW)], irows_v, sem).wait()

    g = gb_v[...]
    lanes = lax.iota(jnp.int32, LANES)

    def chunk_body(c, _):
        sl = pl.ds(c * LANES, LANES)
        acc = ub_v[sl] + ib_v[sl] + g
        for r_local in range(LANES):
            r = c * LANES + r_local
            u0 = urows_v[r, pl.ds(0, LANES)]
            u1 = urows_v[r, pl.ds(LANES, LANES)]
            i0 = irows_v[r, pl.ds(0, LANES)]
            i1 = irows_v[r, pl.ds(LANES, LANES)]
            s = jnp.sum(u0 * i0 + u1 * i1)
            acc = jnp.where(lanes == r_local, acc + s, acc)
        out_v[sl] = acc
        return _

    lax.fori_loop(0, BPW // LANES, chunk_body, None)

    pltpu.sync_copy(out_v, out_hbm.at[pl.ds(base, BPW)])


_mf_kernel = pl.kernel(
    _mf_body,
    out_type=jax.ShapeDtypeStruct((BATCH,), jnp.float32),
    mesh=plsc.VectorSubcoreMesh(core_axis_name="c", subcore_axis_name="s",
                                num_cores=NUM_CORES,
                                num_subcores=NUM_SUBCORES),
    scratch_types=[
        pltpu.VMEM((N_CHUNKS, IDX_CHUNK), jnp.int32),
        pltpu.VMEM((N_CHUNKS, IDX_CHUNK), jnp.int32),
        pltpu.VMEM((BPW, N_FEATS), jnp.float32),
        pltpu.VMEM((BPW, N_FEATS), jnp.float32),
        pltpu.VMEM((BPW,), jnp.float32),
        pltpu.VMEM((BPW,), jnp.float32),
        pltpu.VMEM((BPW,), jnp.float32),
        pltpu.VMEM((LANES,), jnp.float32),
        pltpu.SemaphoreType.DMA,
    ],
    compiler_params=pltpu.CompilerParams(needs_layout_passes=False,
                                         use_tc_tiling_on_sc=False),
)


@jax.jit
def kernel(user, item, g_bias, u_bias_w, i_bias_w, u_embed_w, i_embed_w):
    gb = jnp.full((LANES,), g_bias, jnp.float32)
    ub = jnp.reshape(u_bias_w, (-1,))
    ib = jnp.reshape(i_bias_w, (-1,))
    return _mf_kernel(user, item, gb, ub, ib, u_embed_w, i_embed_w)

# --- scband reference (transcript-rebuilt; emitter-appended) ---
"""Pipeline reference for scband-mfnet-39187281609188 (READ-ONLY COPY).

The authoritative reference and input builder live on the scoring server;
editing this copy changes nothing except your own understanding.
"""

import jax, jax.numpy as jnp
import numpy as np

N_USERS = 1000000
N_ITEMS = 1000000
N_FEATS = 32
BATCH = 16384


def setup_inputs(seed: int = 0) -> dict:
    key = jax.random.key(seed)
    k_user, k_item, k_ub, k_ib, k_ue, k_ie = jax.random.split(key, 6)
    user = jax.random.randint(k_user, (BATCH,), 0, N_USERS, dtype=jnp.int64 if jax.config.jax_enable_x64 else jnp.int32).astype(jnp.int32)
    item = jax.random.randint(k_item, (BATCH,), 0, N_ITEMS, dtype=jnp.int64 if jax.config.jax_enable_x64 else jnp.int32).astype(jnp.int32)
    # Parameters: nn.Embedding default init is N(0,1), then scaled by 0.05 in __init__
    u_bias_w = jax.random.normal(k_ub, (N_USERS, 1), dtype=jnp.float32) * 0.05
    i_bias_w = jax.random.normal(k_ib, (N_ITEMS, 1), dtype=jnp.float32) * 0.05
    u_embed_w = jax.random.normal(k_ue, (N_USERS, N_FEATS), dtype=jnp.float32) * 0.05
    i_embed_w = jax.random.normal(k_ie, (N_ITEMS, N_FEATS), dtype=jnp.float32) * 0.05
    g_bias = jnp.asarray(0.0, dtype=jnp.float32)
    return {
        "user": user,
        "item": item,
        "g_bias": g_bias,
        "u_bias_w": u_bias_w,
        "i_bias_w": i_bias_w,
        "u_embed_w": u_embed_w,
        "i_embed_w": i_embed_w,
    }


def reference(user, item, g_bias, u_bias_w, i_bias_w, u_embed_w, i_embed_w):
    # Embedding lookups (gathers)
    ub = jnp.take(u_bias_w, user, axis=0).reshape(-1)
    ib = jnp.take(i_bias_w, item, axis=0).reshape(-1)
    uvec = jnp.take(u_embed_w, user, axis=0)
    ivec = jnp.take(i_embed_w, item, axis=0)
    # torch_dot: row-wise dot product
    score = g_bias + ub + ib + jnp.sum(uvec * ivec, axis=-1)
    return score

if __name__ == "__main__":
    import jax
    _d = setup_inputs()
    print(jax.jit(kernel)(*tuple(_d.values())))

</pallas_src>

<mosaic_0001>
#map = affine_map<(d0, d1) -> (0)>
#map1 = affine_map<(d0, d1) -> (0, 0)>
module attributes {stable_mosaic.version = 14 : i64} {
  func.func @_mf_body(%arg0: i32, %arg1: i32, %arg2: memref<16384xi32, #tpu.memory_space<hbm>>, %arg3: memref<16384xi32, #tpu.memory_space<hbm>>, %arg4: memref<16xf32, #tpu.memory_space<hbm>>, %arg5: memref<1000000xf32, #tpu.memory_space<hbm>>, %arg6: memref<1000000xf32, #tpu.memory_space<hbm>>, %arg7: memref<1000000x32xf32, #tpu.memory_space<hbm>>, %arg8: memref<1000000x32xf32, #tpu.memory_space<hbm>>, %arg9: memref<16384xf32, #tpu.memory_space<hbm>>, %arg10: memref<4x128xi32, #tpu.memory_space<vmem>>, %arg11: memref<4x128xi32, #tpu.memory_space<vmem>>, %arg12: memref<512x32xf32, #tpu.memory_space<vmem>>, %arg13: memref<512x32xf32, #tpu.memory_space<vmem>>, %arg14: memref<512xf32, #tpu.memory_space<vmem>>, %arg15: memref<512xf32, #tpu.memory_space<vmem>>, %arg16: memref<512xf32, #tpu.memory_space<vmem>>, %arg17: memref<16xf32, #tpu.memory_space<vmem>>, %arg18: memref<!tpu.dma_semaphore, #tpu.memory_space<semaphore_mem>>) attributes {dimension_semantics = [#tpu.dimension_semantics<core_parallel>, #tpu.dimension_semantics<subcore_parallel>], iteration_bounds = array<i64: 2, 16>, scalar_prefetch = 0 : i64, scratch_operands = 9 : i64, tpu.core_type = #tpu.core_type<sc_vector_subcore>, window_params = [{transform_indices = #map}, {transform_indices = #map}, {transform_indices = #map}, {transform_indices = #map}, {transform_indices = #map}, {transform_indices = #map1}, {transform_indices = #map1}, {transform_indices = #map}]} {
    %mul3A = arith.constant 2 : i32
    %mul3A_0 = arith.muli %arg1, %mul3A : i32
    %add3A = arith.addi %mul3A_0, %arg0 : i32
    %mul3A_1 = arith.constant 512 : i32
    %mul3A_2 = arith.muli %add3A, %mul3A_1 : i32
    "tpu.region"() ({
      %run_scoped3A_185 = tpu.sem_alloc : memref<!tpu.dma_semaphore, #tpu.memory_space<semaphore_mem>>
      tpu.enqueue_dma source(%arg4 : memref<16xf32, #tpu.memory_space<hbm>>) target(%arg17 : memref<16xf32, #tpu.memory_space<vmem>>) target_semaphore(%run_scoped3A_185 : memref<!tpu.dma_semaphore, #tpu.memory_space<semaphore_mem>>)
      tpu.wait_dma2 semaphore(%run_scoped3A_185 : memref<!tpu.dma_semaphore, #tpu.memory_space<semaphore_mem>>) src(%arg4 : memref<16xf32, #tpu.memory_space<hbm>>) dst(%arg17 : memref<16xf32, #tpu.memory_space<vmem>>)
      tpu.yield
    }) : () -> ()
    %add3A_3 = arith.constant 0 : i32
    %add3A_4 = arith.addi %mul3A_2, %add3A_3 : i32
    %run_scoped3A = arith.constant 0 : i32
    "tpu.region"() ({
      %run_scoped3A_185 = tpu.sem_alloc : memref<!tpu.dma_semaphore, #tpu.memory_space<semaphore_mem>>
      %dma_start3A_186 = arith.constant 0 : i32
      %dma_start3A_187 = tpu.memref_slice %arg10[%run_scoped3A, %dma_start3A_186] : memref<4x128xi32, #tpu.memory_space<vmem>> -> memref<1x128xi32, #tpu.memory_space<vmem>>
      %dma_start3A_188 = tpu.memref_squeeze %dma_start3A_187 : memref<1x128xi32, #tpu.memory_space<vmem>> -> memref<128xi32, #tpu.memory_space<vmem>>
      %dma_start3A_189 = tpu.memref_slice %arg2[%add3A_4] : memref<16384xi32, #tpu.memory_space<hbm>> -> memref<128xi32, #tpu.memory_space<hbm>>
      %dma_start3A_190 = arith.constant 0 : i32
      %dma_start3A_191 = tpu.memref_slice %arg10[%run_scoped3A, %dma_start3A_190] : memref<4x128xi32, #tpu.memory_space<vmem>> -> memref<1x128xi32, #tpu.memory_space<vmem>>
      %dma_start3A_192 = tpu.memref_squeeze %dma_start3A_191 : memref<1x128xi32, #tpu.memory_space<vmem>> -> memref<128xi32, #tpu.memory_space<vmem>>
      %dma_start3A_193 = tpu.memref_slice %arg2[%add3A_4] : memref<16384xi32, #tpu.memory_space<hbm>> -> memref<128xi32, #tpu.memory_space<hbm>>
      tpu.enqueue_dma source(%dma_start3A_193 : memref<128xi32, #tpu.memory_space<hbm>>) target(%dma_start3A_192 : memref<128xi32, #tpu.memory_space<vmem>>) target_semaphore(%run_scoped3A_185 : memref<!tpu.dma_semaphore, #tpu.memory_space<semaphore_mem>>)
      %dma_wait3A_194 = arith.constant 0 : i32
      %dma_wait3A_195 = tpu.memref_slice %arg10[%run_scoped3A, %dma_wait3A_194] : memref<4x128xi32, #tpu.memory_space<vmem>> -> memref<1x128xi32, #tpu.memory_space<vmem>>
      %dma_wait3A_196 = tpu.memref_squeeze %dma_wait3A_195 : memref<1x128xi32, #tpu.memory_space<vmem>> -> memref<128xi32, #tpu.memory_space<vmem>>
      %dma_wait3A_197 = tpu.memref_slice %arg2[%add3A_4] : memref<16384xi32, #tpu.memory_space<hbm>> -> memref<128xi32, #tpu.memory_space<hbm>>
      %dma_wait3A_198 = arith.constant 0 : i32
      %dma_wait3A_199 = tpu.memref_slice %arg10[%run_scoped3A, %dma_wait3A_198] : memref<4x128xi32, #tpu.memory_space<vmem>> -> memref<1x128xi32, #tpu.memory_space<vmem>>
      %dma_wait3A_200 = tpu.memref_squeeze %dma_wait3A_199 : memref<1x128xi32, #tpu.memory_space<vmem>> -> memref<128xi32, #tpu.memory_space<vmem>>
      %dma_wait3A_201 = tpu.memref_slice %arg2[%add3A_4] : memref<16384xi32, #tpu.memory_space<hbm>> -> memref<128xi32, #tpu.memory_space<hbm>>
      tpu.wait_dma2 semaphore(%run_scoped3A_185 : memref<!tpu.dma_semaphore, #tpu.memory_space<semaphore_mem>>) src(%dma_wait3A_201 : memref<128xi32, #tpu.memory_space<hbm>>) dst(%dma_wait3A_200 : memref<128xi32, #tpu.memory_space<vmem>>)
      tpu.yield
    }) : () -> ()
    %run_scoped3A_5 = arith.constant 0 : i32
    "tpu.region"() ({
      %run_scoped3A_185 = tpu.sem_alloc : memref<!tpu.dma_semaphore, #tpu.memory_space<semaphore_mem>>
      %dma_start3A_186 = arith.constant 0 : i32
      %dma_start3A_187 = tpu.memref_slice %arg11[%run_scoped3A_5, %dma_start3A_186] : memref<4x128xi32, #tpu.memory_space<vmem>> -> memref<1x128xi32, #tpu.memory_space<vmem>>
      %dma_start3A_188 = tpu.memref_squeeze %dma_start3A_187 : memref<1x128xi32, #tpu.memory_space<vmem>> -> memref<128xi32, #tpu.memory_space<vmem>>
      %dma_start3A_189 = tpu.memref_slice %arg3[%add3A_4] : memref<16384xi32, #tpu.memory_space<hbm>> -> memref<128xi32, #tpu.memory_space<hbm>>
      %dma_start3A_190 = arith.constant 0 : i32
      %dma_start3A_191 = tpu.memref_slice %arg11[%run_scoped3A_5, %dma_start3A_190] : memref<4x128xi32, #tpu.memory_space<vmem>> -> memref<1x128xi32, #tpu.memory_space<vmem>>
      %dma_start3A_192 = tpu.memref_squeeze %dma_start3A_191 : memref<1x128xi32, #tpu.memory_space<vmem>> -> memref<128xi32, #tpu.memory_space<vmem>>
      %dma_start3A_193 = tpu.memref_slice %arg3[%add3A_4] : memref<16384xi32, #tpu.memory_space<hbm>> -> memref<128xi32, #tpu.memory_space<hbm>>
      tpu.enqueue_dma source(%dma_start3A_193 : memref<128xi32, #tpu.memory_space<hbm>>) target(%dma_start3A_192 : memref<128xi32, #tpu.memory_space<vmem>>) target_semaphore(%run_scoped3A_185 : memref<!tpu.dma_semaphore, #tpu.memory_space<semaphore_mem>>)
      %dma_wait3A_194 = arith.constant 0 : i32
      %dma_wait3A_195 = tpu.memref_slice %arg11[%run_scoped3A_5, %dma_wait3A_194] : memref<4x128xi32, #tpu.memory_space<vmem>> -> memref<1x128xi32, #tpu.memory_space<vmem>>
      %dma_wait3A_196 = tpu.memref_squeeze %dma_wait3A_195 : memref<1x128xi32, #tpu.memory_space<vmem>> -> memref<128xi32, #tpu.memory_space<vmem>>
      %dma_wait3A_197 = tpu.memref_slice %arg3[%add3A_4] : memref<16384xi32, #tpu.memory_space<hbm>> -> memref<128xi32, #tpu.memory_space<hbm>>
      %dma_wait3A_198 = arith.constant 0 : i32
      %dma_wait3A_199 = tpu.memref_slice %arg11[%run_scoped3A_5, %dma_wait3A_198] : memref<4x128xi32, #tpu.memory_space<vmem>> -> memref<1x128xi32, #tpu.memory_space<vmem>>
      %dma_wait3A_200 = tpu.memref_squeeze %dma_wait3A_199 : memref<1x128xi32, #tpu.memory_space<vmem>> -> memref<128xi32, #tpu.memory_space<vmem>>
      %dma_wait3A_201 = tpu.memref_slice %arg3[%add3A_4] : memref<16384xi32, #tpu.memory_space<hbm>> -> memref<128xi32, #tpu.memory_space<hbm>>
      tpu.wait_dma2 semaphore(%run_scoped3A_185 : memref<!tpu.dma_semaphore, #tpu.memory_space<semaphore_mem>>) src(%dma_wait3A_201 : memref<128xi32, #tpu.memory_space<hbm>>) dst(%dma_wait3A_200 : memref<128xi32, #tpu.memory_space<vmem>>)
      tpu.yield
    }) : () -> ()
    %add3A_6 = arith.constant 128 : i32
    %add3A_7 = arith.addi %mul3A_2, %add3A_6 : i32
    %run_scoped3A_8 = arith.constant 1 : i32
    "tpu.region"() ({
      %run_scoped3A_185 = tpu.sem_alloc : memref<!tpu.dma_semaphore, #tpu.memory_space<semaphore_mem>>
      %dma_start3A_186 = arith.constant 0 : i32
      %dma_start3A_187 = tpu.memref_slice %arg10[%run_scoped3A_8, %dma_start3A_186] : memref<4x128xi32, #tpu.memory_space<vmem>> -> memref<1x128xi32, #tpu.memory_space<vmem>>
      %dma_start3A_188 = tpu.memref_squeeze %dma_start3A_187 : memref<1x128xi32, #tpu.memory_space<vmem>> -> memref<128xi32, #tpu.memory_space<vmem>>
      %dma_start3A_189 = tpu.memref_slice %arg2[%add3A_7] : memref<16384xi32, #tpu.memory_space<hbm>> -> memref<128xi32, #tpu.memory_space<hbm>>
      %dma_start3A_190 = arith.constant 0 : i32
      %dma_start3A_191 = tpu.memref_slice %arg10[%run_scoped3A_8, %dma_start3A_190] : memref<4x128xi32, #tpu.memory_space<vmem>> -> memref<1x128xi32, #tpu.memory_space<vmem>>
      %dma_start3A_192 = tpu.memref_squeeze %dma_start3A_191 : memref<1x128xi32, #tpu.memory_space<vmem>> -> memref<128xi32, #tpu.memory_space<vmem>>
      %dma_start3A_193 = tpu.memref_slice %arg2[%add3A_7] : memref<16384xi32, #tpu.memory_space<hbm>> -> memref<128xi32, #tpu.memory_space<hbm>>
      tpu.enqueue_dma source(%dma_start3A_193 : memref<128xi32, #tpu.memory_space<hbm>>) target(%dma_start3A_192 : memref<128xi32, #tpu.memory_space<vmem>>) target_semaphore(%run_scoped3A_185 : memref<!tpu.dma_semaphore, #tpu.memory_space<semaphore_mem>>)
      %dma_wait3A_194 = arith.constant 0 : i32
      %dma_wait3A_195 = tpu.memref_slice %arg10[%run_scoped3A_8, %dma_wait3A_194] : memref<4x128xi32, #tpu.memory_space<vmem>> -> memref<1x128xi32, #tpu.memory_space<vmem>>
      %dma_wait3A_196 = tpu.memref_squeeze %dma_wait3A_195 : memref<1x128xi32, #tpu.memory_space<vmem>> -> memref<128xi32, #tpu.memory_space<vmem>>
      %dma_wait3A_197 = tpu.memref_slice %arg2[%add3A_7] : memref<16384xi32, #tpu.memory_space<hbm>> -> memref<128xi32, #tpu.memory_space<hbm>>
      %dma_wait3A_198 = arith.constant 0 : i32
      %dma_wait3A_199 = tpu.memref_slice %arg10[%run_scoped3A_8, %dma_wait3A_198] : memref<4x128xi32, #tpu.memory_space<vmem>> -> memref<1x128xi32, #tpu.memory_space<vmem>>
      %dma_wait3A_200 = tpu.memref_squeeze %dma_wait3A_199 : memref<1x128xi32, #tpu.memory_space<vmem>> -> memref<128xi32, #tpu.memory_space<vmem>>
      %dma_wait3A_201 = tpu.memref_slice %arg2[%add3A_7] : memref<16384xi32, #tpu.memory_space<hbm>> -> memref<128xi32, #tpu.memory_space<hbm>>
      tpu.wait_dma2 semaphore(%run_scoped3A_185 : memref<!tpu.dma_semaphore, #tpu.memory_space<semaphore_mem>>) src(%dma_wait3A_201 : memref<128xi32, #tpu.memory_space<hbm>>) dst(%dma_wait3A_200 : memref<128xi32, #tpu.memory_space<vmem>>)
      tpu.yield
    }) : () -> ()
    %run_scoped3A_9 = arith.constant 1 : i32
    "tpu.region"() ({
      %run_scoped3A_185 = tpu.sem_alloc : memref<!tpu.dma_semaphore, #tpu.memory_space<semaphore_mem>>
      %dma_start3A_186 = arith.constant 0 : i32
      %dma_start3A_187 = tpu.memref_slice %arg11[%run_scoped3A_9, %dma_start3A_186] : memref<4x128xi32, #tpu.memory_space<vmem>> -> memref<1x128xi32, #tpu.memory_space<vmem>>
      %dma_start3A_188 = tpu.memref_squeeze %dma_start3A_187 : memref<1x128xi32, #tpu.memory_space<vmem>> -> memref<128xi32, #tpu.memory_space<vmem>>
      %dma_start3A_189 = tpu.memref_slice %arg3[%add3A_7] : memref<16384xi32, #tpu.memory_space<hbm>> -> memref<128xi32, #tpu.memory_space<hbm>>
      %dma_start3A_190 = arith.constant 0 : i32
      %dma_start3A_191 = tpu.memref_slice %arg11[%run_scoped3A_9, %dma_start3A_190] : memref<4x128xi32, #tpu.memory_space<vmem>> -> memref<1x128xi32, #tpu.memory_space<vmem>>
      %dma_start3A_192 = tpu.memref_squeeze %dma_start3A_191 : memref<1x128xi32, #tpu.memory_space<vmem>> -> memref<128xi32, #tpu.memory_space<vmem>>
      %dma_start3A_193 = tpu.memref_slice %arg3[%add3A_7] : memref<16384xi32, #tpu.memory_space<hbm>> -> memref<128xi32, #tpu.memory_space<hbm>>
      tpu.enqueue_dma source(%dma_start3A_193 : memref<128xi32, #tpu.memory_space<hbm>>) target(%dma_start3A_192 : memref<128xi32, #tpu.memory_space<vmem>>) target_semaphore(%run_scoped3A_185 : memref<!tpu.dma_semaphore, #tpu.memory_space<semaphore_mem>>)
      %dma_wait3A_194 = arith.constant 0 : i32
      %dma_wait3A_195 = tpu.memref_slice %arg11[%run_scoped3A_9, %dma_wait3A_194] : memref<4x128xi32, #tpu.memory_space<vmem>> -> memref<1x128xi32, #tpu.memory_space<vmem>>
      %dma_wait3A_196 = tpu.memref_squeeze %dma_wait3A_195 : memref<1x128xi32, #tpu.memory_space<vmem>> -> memref<128xi32, #tpu.memory_space<vmem>>
      %dma_wait3A_197 = tpu.memref_slice %arg3[%add3A_7] : memref<16384xi32, #tpu.memory_space<hbm>> -> memref<128xi32, #tpu.memory_space<hbm>>
      %dma_wait3A_198 = arith.constant 0 : i32
      %dma_wait3A_199 = tpu.memref_slice %arg11[%run_scoped3A_9, %dma_wait3A_198] : memref<4x128xi32, #tpu.memory_space<vmem>> -> memref<1x128xi32, #tpu.memory_space<vmem>>
      %dma_wait3A_200 = tpu.memref_squeeze %dma_wait3A_199 : memref<1x128xi32, #tpu.memory_space<vmem>> -> memref<128xi32, #tpu.memory_space<vmem>>
      %dma_wait3A_201 = tpu.memref_slice %arg3[%add3A_7] : memref<16384xi32, #tpu.memory_space<hbm>> -> memref<128xi32, #tpu.memory_space<hbm>>
      tpu.wait_dma2 semaphore(%run_scoped3A_185 : memref<!tpu.dma_semaphore, #tpu.memory_space<semaphore_mem>>) src(%dma_wait3A_201 : memref<128xi32, #tpu.memory_space<hbm>>) dst(%dma_wait3A_200 : memref<128xi32, #tpu.memory_space<vmem>>)
      tpu.yield
    }) : () -> ()
    %add3A_10 = arith.constant 256 : i32
    %add3A_11 = arith.addi %mul3A_2, %add3A_10 : i32
    %run_scoped3A_12 = arith.constant 2 : i32
    "tpu.region"() ({
      %run_scoped3A_185 = tpu.sem_alloc : memref<!tpu.dma_semaphore, #tpu.memory_space<semaphore_mem>>
      %dma_start3A_186 = arith.constant 0 : i32
      %dma_start3A_187 = tpu.memref_slice %arg10[%run_scoped3A_12, %dma_start3A_186] : memref<4x128xi32, #tpu.memory_space<vmem>> -> memref<1x128xi32, #tpu.memory_space<vmem>>
      %dma_start3A_188 = tpu.memref_squeeze %dma_start3A_187 : memref<1x128xi32, #tpu.memory_space<vmem>> -> memref<128xi32, #tpu.memory_space<vmem>>
      %dma_start3A_189 = tpu.memref_slice %arg2[%add3A_11] : memref<16384xi32, #tpu.memory_space<hbm>> -> memref<128xi32, #tpu.memory_space<hbm>>
      %dma_start3A_190 = arith.constant 0 : i32
      %dma_start3A_191 = tpu.memref_slice %arg10[%run_scoped3A_12, %dma_start3A_190] : memref<4x128xi32, #tpu.memory_space<vmem>> -> memref<1x128xi32, #tpu.memory_space<vmem>>
      %dma_start3A_192 = tpu.memref_squeeze %dma_start3A_191 : memref<1x128xi32, #tpu.memory_space<vmem>> -> memref<128xi32, #tpu.memory_space<vmem>>
      %dma_start3A_193 = tpu.memref_slice %arg2[%add3A_11] : memref<16384xi32, #tpu.memory_space<hbm>> -> memref<128xi32, #tpu.memory_space<hbm>>
      tpu.enqueue_dma source(%dma_start3A_193 : memref<128xi32, #tpu.memory_space<hbm>>) target(%dma_start3A_192 : memref<128xi32, #tpu.memory_space<vmem>>) target_semaphore(%run_scoped3A_185 : memref<!tpu.dma_semaphore, #tpu.memory_space<semaphore_mem>>)
      %dma_wait3A_194 = arith.constant 0 : i32
      %dma_wait3A_195 = tpu.memref_slice %arg10[%run_scoped3A_12, %dma_wait3A_194] : memref<4x128xi32, #tpu.memory_space<vmem>> -> memref<1x128xi32, #tpu.memory_space<vmem>>
      %dma_wait3A_196 = tpu.memref_squeeze %dma_wait3A_195 : memref<1x128xi32, #tpu.memory_space<vmem>> -> memref<128xi32, #tpu.memory_space<vmem>>
      %dma_wait3A_197 = tpu.memref_slice %arg2[%add3A_11] : memref<16384xi32, #tpu.memory_space<hbm>> -> memref<128xi32, #tpu.memory_space<hbm>>
      %dma_wait3A_198 = arith.constant 0 : i32
      %dma_wait3A_199 = tpu.memref_slice %arg10[%run_scoped3A_12, %dma_wait3A_198] : memref<4x128xi32, #tpu.memory_space<vmem>> -> memref<1x128xi32, #tpu.memory_space<vmem>>
      %dma_wait3A_200 = tpu.memref_squeeze %dma_wait3A_199 : memref<1x128xi32, #tpu.memory_space<vmem>> -> memref<128xi32, #tpu.memory_space<vmem>>
      %dma_wait3A_201 = tpu.memref_slice %arg2[%add3A_11] : memref<16384xi32, #tpu.memory_space<hbm>> -> memref<128xi32, #tpu.memory_space<hbm>>
      tpu.wait_dma2 semaphore(%run_scoped3A_185 : memref<!tpu.dma_semaphore, #tpu.memory_space<semaphore_mem>>) src(%dma_wait3A_201 : memref<128xi32, #tpu.memory_space<hbm>>) dst(%dma_wait3A_200 : memref<128xi32, #tpu.memory_space<vmem>>)
      tpu.yield
    }) : () -> ()
    %run_scoped3A_13 = arith.constant 2 : i32
    "tpu.region"() ({
      %run_scoped3A_185 = tpu.sem_alloc : memref<!tpu.dma_semaphore, #tpu.memory_space<semaphore_mem>>
      %dma_start3A_186 = arith.constant 0 : i32
      %dma_start3A_187 = tpu.memref_slice %arg11[%run_scoped3A_13, %dma_start3A_186] : memref<4x128xi32, #tpu.memory_space<vmem>> -> memref<1x128xi32, #tpu.memory_space<vmem>>
      %dma_start3A_188 = tpu.memref_squeeze %dma_start3A_187 : memref<1x128xi32, #tpu.memory_space<vmem>> -> memref<128xi32, #tpu.memory_space<vmem>>
      %dma_start3A_189 = tpu.memref_slice %arg3[%add3A_11] : memref<16384xi32, #tpu.memory_space<hbm>> -> memref<128xi32, #tpu.memory_space<hbm>>
      %dma_start3A_190 = arith.constant 0 : i32
      %dma_start3A_191 = tpu.memref_slice %arg11[%run_scoped3A_13, %dma_start3A_190] : memref<4x128xi32, #tpu.memory_space<vmem>> -> memref<1x128xi32, #tpu.memory_space<vmem>>
      %dma_start3A_192 = tpu.memref_squeeze %dma_start3A_191 : memref<1x128xi32, #tpu.memory_space<vmem>> -> memref<128xi32, #tpu.memory_space<vmem>>
      %dma_start3A_193 = tpu.memref_slice %arg3[%add3A_11] : memref<16384xi32, #tpu.memory_space<hbm>> -> memref<128xi32, #tpu.memory_space<hbm>>
      tpu.enqueue_dma source(%dma_start3A_193 : memref<128xi32, #tpu.memory_space<hbm>>) target(%dma_start3A_192 : memref<128xi32, #tpu.memory_space<vmem>>) target_semaphore(%run_scoped3A_185 : memref<!tpu.dma_semaphore, #tpu.memory_space<semaphore_mem>>)
      %dma_wait3A_194 = arith.constant 0 : i32
      %dma_wait3A_195 = tpu.memref_slice %arg11[%run_scoped3A_13, %dma_wait3A_194] : memref<4x128xi32, #tpu.memory_space<vmem>> -> memref<1x128xi32, #tpu.memory_space<vmem>>
      %dma_wait3A_196 = tpu.memref_squeeze %dma_wait3A_195 : memref<1x128xi32, #tpu.memory_space<vmem>> -> memref<128xi32, #tpu.memory_space<vmem>>
      %dma_wait3A_197 = tpu.memref_slice %arg3[%add3A_11] : memref<16384xi32, #tpu.memory_space<hbm>> -> memref<128xi32, #tpu.memory_space<hbm>>
      %dma_wait3A_198 = arith.constant 0 : i32
      %dma_wait3A_199 = tpu.memref_slice %arg11[%run_scoped3A_13, %dma_wait3A_198] : memref<4x128xi32, #tpu.memory_space<vmem>> -> memref<1x128xi32, #tpu.memory_space<vmem>>
      %dma_wait3A_200 = tpu.memref_squeeze %dma_wait3A_199 : memref<1x128xi32, #tpu.memory_space<vmem>> -> memref<128xi32, #tpu.memory_space<vmem>>
      %dma_wait3A_201 = tpu.memref_slice %arg3[%add3A_11] : memref<16384xi32, #tpu.memory_space<hbm>> -> memref<128xi32, #tpu.memory_space<hbm>>
      tpu.wait_dma2 semaphore(%run_scoped3A_185 : memref<!tpu.dma_semaphore, #tpu.memory_space<semaphore_mem>>) src(%dma_wait3A_201 : memref<128xi32, #tpu.memory_space<hbm>>) dst(%dma_wait3A_200 : memref<128xi32, #tpu.memory_space<vmem>>)
      tpu.yield
    }) : () -> ()
    %add3A_14 = arith.constant 384 : i32
    %add3A_15 = arith.addi %mul3A_2, %add3A_14 : i32
    %run_scoped3A_16 = arith.constant 3 : i32
    "tpu.region"() ({
      %run_scoped3A_185 = tpu.sem_alloc : memref<!tpu.dma_semaphore, #tpu.memory_space<semaphore_mem>>
      %dma_start3A_186 = arith.constant 0 : i32
      %dma_start3A_187 = tpu.memref_slice %arg10[%run_scoped3A_16, %dma_start3A_186] : memref<4x128xi32, #tpu.memory_space<vmem>> -> memref<1x128xi32, #tpu.memory_space<vmem>>
      %dma_start3A_188 = tpu.memref_squeeze %dma_start3A_187 : memref<1x128xi32, #tpu.memory_space<vmem>> -> memref<128xi32, #tpu.memory_space<vmem>>
      %dma_start3A_189 = tpu.memref_slice %arg2[%add3A_15] : memref<16384xi32, #tpu.memory_space<hbm>> -> memref<128xi32, #tpu.memory_space<hbm>>
      %dma_start3A_190 = arith.constant 0 : i32
      %dma_start3A_191 = tpu.memref_slice %arg10[%run_scoped3A_16, %dma_start3A_190] : memref<4x128xi32, #tpu.memory_space<vmem>> -> memref<1x128xi32, #tpu.memory_space<vmem>>
      %dma_start3A_192 = tpu.memref_squeeze %dma_start3A_191 : memref<1x128xi32, #tpu.memory_space<vmem>> -> memref<128xi32, #tpu.memory_space<vmem>>
      %dma_start3A_193 = tpu.memref_slice %arg2[%add3A_15] : memref<16384xi32, #tpu.memory_space<hbm>> -> memref<128xi32, #tpu.memory_space<hbm>>
      tpu.enqueue_dma source(%dma_start3A_193 : memref<128xi32, #tpu.memory_space<hbm>>) target(%dma_start3A_192 : memref<128xi32, #tpu.memory_space<vmem>>) target_semaphore(%run_scoped3A_185 : memref<!tpu.dma_semaphore, #tpu.memory_space<semaphore_mem>>)
      %dma_wait3A_194 = arith.constant 0 : i32
      %dma_wait3A_195 = tpu.memref_slice %arg10[%run_scoped3A_16, %dma_wait3A_194] : memref<4x128xi32, #tpu.memory_space<vmem>> -> memref<1x128xi32, #tpu.memory_space<vmem>>
      %dma_wait3A_196 = tpu.memref_squeeze %dma_wait3A_195 : memref<1x128xi32, #tpu.memory_space<vmem>> -> memref<128xi32, #tpu.memory_space<vmem>>
      %dma_wait3A_197 = tpu.memref_slice %arg2[%add3A_15] : memref<16384xi32, #tpu.memory_space<hbm>> -> memref<128xi32, #tpu.memory_space<hbm>>
      %dma_wait3A_198 = arith.constant 0 : i32
      %dma_wait3A_199 = tpu.memref_slice %arg10[%run_scoped3A_16, %dma_wait3A_198] : memref<4x128xi32, #tpu.memory_space<vmem>> -> memref<1x128xi32, #tpu.memory_space<vmem>>
      %dma_wait3A_200 = tpu.memref_squeeze %dma_wait3A_199 : memref<1x128xi32, #tpu.memory_space<vmem>> -> memref<128xi32, #tpu.memory_space<vmem>>
      %dma_wait3A_201 = tpu.memref_slice %arg2[%add3A_15] : memref<16384xi32, #tpu.memory_space<hbm>> -> memref<128xi32, #tpu.memory_space<hbm>>
      tpu.wait_dma2 semaphore(%run_scoped3A_185 : memref<!tpu.dma_semaphore, #tpu.memory_space<semaphore_mem>>) src(%dma_wait3A_201 : memref<128xi32, #tpu.memory_space<hbm>>) dst(%dma_wait3A_200 : memref<128xi32, #tpu.memory_space<vmem>>)
      tpu.yield
    }) : () -> ()
    %run_scoped3A_17 = arith.constant 3 : i32
    "tpu.region"() ({
      %run_scoped3A_185 = tpu.sem_alloc : memref<!tpu.dma_semaphore, #tpu.memory_space<semaphore_mem>>
      %dma_start3A_186 = arith.constant 0 : i32
      %dma_start3A_187 = tpu.memref_slice %arg11[%run_scoped3A_17, %dma_start3A_186] : memref<4x128xi32, #tpu.memory_space<vmem>> -> memref<1x128xi32, #tpu.memory_space<vmem>>
      %dma_start3A_188 = tpu.memref_squeeze %dma_start3A_187 : memref<1x128xi32, #tpu.memory_space<vmem>> -> memref<128xi32, #tpu.memory_space<vmem>>
      %dma_start3A_189 = tpu.memref_slice %arg3[%add3A_15] : memref<16384xi32, #tpu.memory_space<hbm>> -> memref<128xi32, #tpu.memory_space<hbm>>
      %dma_start3A_190 = arith.constant 0 : i32
      %dma_start3A_191 = tpu.memref_slice %arg11[%run_scoped3A_17, %dma_start3A_190] : memref<4x128xi32, #tpu.memory_space<vmem>> -> memref<1x128xi32, #tpu.memory_space<vmem>>
      %dma_start3A_192 = tpu.memref_squeeze %dma_start3A_191 : memref<1x128xi32, #tpu.memory_space<vmem>> -> memref<128xi32, #tpu.memory_space<vmem>>
      %dma_start3A_193 = tpu.memref_slice %arg3[%add3A_15] : memref<16384xi32, #tpu.memory_space<hbm>> -> memref<128xi32, #tpu.memory_space<hbm>>
      tpu.enqueue_dma source(%dma_start3A_193 : memref<128xi32, #tpu.memory_space<hbm>>) target(%dma_start3A_192 : memref<128xi32, #tpu.memory_space<vmem>>) target_semaphore(%run_scoped3A_185 : memref<!tpu.dma_semaphore, #tpu.memory_space<semaphore_mem>>)
      %dma_wait3A_194 = arith.constant 0 : i32
      %dma_wait3A_195 = tpu.memref_slice %arg11[%run_scoped3A_17, %dma_wait3A_194] : memref<4x128xi32, #tpu.memory_space<vmem>> -> memref<1x128xi32, #tpu.memory_space<vmem>>
      %dma_wait3A_196 = tpu.memref_squeeze %dma_wait3A_195 : memref<1x128xi32, #tpu.memory_space<vmem>> -> memref<128xi32, #tpu.memory_space<vmem>>
      %dma_wait3A_197 = tpu.memref_slice %arg3[%add3A_15] : memref<16384xi32, #tpu.memory_space<hbm>> -> memref<128xi32, #tpu.memory_space<hbm>>
      %dma_wait3A_198 = arith.constant 0 : i32
      %dma_wait3A_199 = tpu.memref_slice %arg11[%run_scoped3A_17, %dma_wait3A_198] : memref<4x128xi32, #tpu.memory_space<vmem>> -> memref<1x128xi32, #tpu.memory_space<vmem>>
      %dma_wait3A_200 = tpu.memref_squeeze %dma_wait3A_199 : memref<1x128xi32, #tpu.memory_space<vmem>> -> memref<128xi32, #tpu.memory_space<vmem>>
      %dma_wait3A_201 = tpu.memref_slice %arg3[%add3A_15] : memref<16384xi32, #tpu.memory_space<hbm>> -> memref<128xi32, #tpu.memory_space<hbm>>
      tpu.wait_dma2 semaphore(%run_scoped3A_185 : memref<!tpu.dma_semaphore, #tpu.memory_space<semaphore_mem>>) src(%dma_wait3A_201 : memref<128xi32, #tpu.memory_space<hbm>>) dst(%dma_wait3A_200 : memref<128xi32, #tpu.memory_space<vmem>>)
      tpu.yield
    }) : () -> ()
    %dma_start3A = arith.constant 0 : i32
    %dma_start3A_18 = arith.constant 0 : i32
    %dma_start3A_19 = tpu.memref_slice %arg14[%dma_start3A_18] : memref<512xf32, #tpu.memory_space<vmem>> -> memref<128xf32, #tpu.memory_space<vmem>>
    %dma_start3A_20 = arith.constant 0 : i32
    %dma_start3A_21 = tpu.memref_slice %arg10[%dma_start3A, %dma_start3A_20] : memref<4x128xi32, #tpu.memory_space<vmem>> -> memref<1x128xi32, #tpu.memory_space<vmem>>
    %dma_start3A_22 = tpu.memref_squeeze %dma_start3A_21 : memref<1x128xi32, #tpu.memory_space<vmem>> -> memref<128xi32, #tpu.memory_space<vmem>>
    %dma_start3A_23 = arith.constant 0 : i32
    %dma_start3A_24 = tpu.memref_slice %arg5[%dma_start3A_23] : memref<1000000xf32, #tpu.memory_space<hbm>> -> memref<1000000xf32, #tpu.memory_space<hbm>>
    tpu.enqueue_indirect_dma source(%dma_start3A_24 : memref<1000000xf32, #tpu.memory_space<hbm>>) target(%dma_start3A_19 : memref<128xf32, #tpu.memory_space<vmem>>) offsets(%dma_start3A_22 : memref<128xi32, #tpu.memory_space<vmem>>) semaphore(%arg18 : memref<!tpu.dma_semaphore, #tpu.memory_space<semaphore_mem>>)
    %dma_start3A_25 = arith.constant 0 : i32
    %dma_start3A_26 = arith.constant 0 : i32
    %dma_start3A_27 = tpu.memref_slice %arg15[%dma_start3A_26] : memref<512xf32, #tpu.memory_space<vmem>> -> memref<128xf32, #tpu.memory_space<vmem>>
    %dma_start3A_28 = arith.constant 0 : i32
    %dma_start3A_29 = tpu.memref_slice %arg11[%dma_start3A_25, %dma_start3A_28] : memref<4x128xi32, #tpu.memory_space<vmem>> -> memref<1x128xi32, #tpu.memory_space<vmem>>
    %dma_start3A_30 = tpu.memref_squeeze %dma_start3A_29 : memref<1x128xi32, #tpu.memory_space<vmem>> -> memref<128xi32, #tpu.memory_space<vmem>>
    %dma_start3A_31 = arith.constant 0 : i32
    %dma_start3A_32 = tpu.memref_slice %arg6[%dma_start3A_31] : memref<1000000xf32, #tpu.memory_space<hbm>> -> memref<1000000xf32, #tpu.memory_space<hbm>>
    tpu.enqueue_indirect_dma source(%dma_start3A_32 : memref<1000000xf32, #tpu.memory_space<hbm>>) target(%dma_start3A_27 : memref<128xf32, #tpu.memory_space<vmem>>) offsets(%dma_start3A_30 : memref<128xi32, #tpu.memory_space<vmem>>) semaphore(%arg18 : memref<!tpu.dma_semaphore, #tpu.memory_space<semaphore_mem>>)
    %dma_start3A_33 = arith.constant 0 : i32
    %dma_start3A_34 = arith.constant 0 : i32
    %dma_start3A_35 = arith.constant 0 : i32
    %dma_start3A_36 = tpu.memref_slice %arg12[%dma_start3A_34, %dma_start3A_35] : memref<512x32xf32, #tpu.memory_space<vmem>> -> memref<128x32xf32, #tpu.memory_space<vmem>>
    %dma_start3A_37 = arith.constant 0 : i32
    %dma_start3A_38 = tpu.memref_slice %arg10[%dma_start3A_33, %dma_start3A_37] : memref<4x128xi32, #tpu.memory_space<vmem>> -> memref<1x128xi32, #tpu.memory_space<vmem>>
    %dma_start3A_39 = tpu.memref_squeeze %dma_start3A_38 : memref<1x128xi32, #tpu.memory_space<vmem>> -> memref<128xi32, #tpu.memory_space<vmem>>
    %dma_start3A_40 = arith.constant 0 : i32
    %dma_start3A_41 = arith.constant 0 : i32
    %dma_start3A_42 = tpu.memref_slice %arg7[%dma_start3A_40, %dma_start3A_41] : memref<1000000x32xf32, #tpu.memory_space<hbm>> -> memref<1000000x32xf32, #tpu.memory_space<hbm>>
    tpu.enqueue_indirect_dma source(%dma_start3A_42 : memref<1000000x32xf32, #tpu.memory_space<hbm>>) target(%dma_start3A_36 : memref<128x32xf32, #tpu.memory_space<vmem>>) offsets(%dma_start3A_39 : memref<128xi32, #tpu.memory_space<vmem>>) semaphore(%arg18 : memref<!tpu.dma_semaphore, #tpu.memory_space<semaphore_mem>>)
    %dma_start3A_43 = arith.constant 0 : i32
    %dma_start3A_44 = arith.constant 0 : i32
    %dma_start3A_45 = arith.constant 0 : i32
    %dma_start3A_46 = tpu.memref_slice %arg13[%dma_start3A_44, %dma_start3A_45] : memref<512x32xf32, #tpu.memory_space<vmem>> -> memref<128x32xf32, #tpu.memory_space<vmem>>
    %dma_start3A_47 = arith.constant 0 : i32
    %dma_start3A_48 = tpu.memref_slice %arg11[%dma_start3A_43, %dma_start3A_47] : memref<4x128xi32, #tpu.memory_space<vmem>> -> memref<1x128xi32, #tpu.memory_space<vmem>>
    %dma_start3A_49 = tpu.memref_squeeze %dma_start3A_48 : memref<1x128xi32, #tpu.memory_space<vmem>> -> memref<128xi32, #tpu.memory_space<vmem>>
    %dma_start3A_50 = arith.constant 0 : i32
    %dma_start3A_51 = arith.constant 0 : i32
    %dma_start3A_52 = tpu.memref_slice %arg8[%dma_start3A_50, %dma_start3A_51] : memref<1000000x32xf32, #tpu.memory_space<hbm>> -> memref<1000000x32xf32, #tpu.memory_space<hbm>>
    tpu.enqueue_indirect_dma source(%dma_start3A_52 : memref<1000000x32xf32, #tpu.memory_space<hbm>>) target(%dma_start3A_46 : memref<128x32xf32, #tpu.memory_space<vmem>>) offsets(%dma_start3A_49 : memref<128xi32, #tpu.memory_space<vmem>>) semaphore(%arg18 : memref<!tpu.dma_semaphore, #tpu.memory_space<semaphore_mem>>)
    %dma_start3A_53 = arith.constant 1 : i32
    %dma_start3A_54 = arith.constant 128 : i32
    %dma_start3A_55 = tpu.memref_slice %arg14[%dma_start3A_54] : memref<512xf32, #tpu.memory_space<vmem>> -> memref<128xf32, #tpu.memory_space<vmem>>
    %dma_start3A_56 = arith.constant 0 : i32
    %dma_start3A_57 = tpu.memref_slice %arg10[%dma_start3A_53, %dma_start3A_56] : memref<4x128xi32, #tpu.memory_space<vmem>> -> memref<1x128xi32, #tpu.memory_space<vmem>>
    %dma_start3A_58 = tpu.memref_squeeze %dma_start3A_57 : memref<1x128xi32, #tpu.memory_space<vmem>> -> memref<128xi32, #tpu.memory_space<vmem>>
    %dma_start3A_59 = arith.constant 0 : i32
    %dma_start3A_60 = tpu.memref_slice %arg5[%dma_start3A_59] : memref<1000000xf32, #tpu.memory_space<hbm>> -> memref<1000000xf32, #tpu.memory_space<hbm>>
    tpu.enqueue_indirect_dma source(%dma_start3A_60 : memref<1000000xf32, #tpu.memory_space<hbm>>) target(%dma_start3A_55 : memref<128xf32, #tpu.memory_space<vmem>>) offsets(%dma_start3A_58 : memref<128xi32, #tpu.memory_space<vmem>>) semaphore(%arg18 : memref<!tpu.dma_semaphore, #tpu.memory_space<semaphore_mem>>)
    %dma_start3A_61 = arith.constant 1 : i32
    %dma_start3A_62 = arith.constant 128 : i32
    %dma_start3A_63 = tpu.memref_slice %arg15[%dma_start3A_62] : memref<512xf32, #tpu.memory_space<vmem>> -> memref<128xf32, #tpu.memory_space<vmem>>
    %dma_start3A_64 = arith.constant 0 : i32
    %dma_start3A_65 = tpu.memref_slice %arg11[%dma_start3A_61, %dma_start3A_64] : memref<4x128xi32, #tpu.memory_space<vmem>> -> memref<1x128xi32, #tpu.memory_space<vmem>>
    %dma_start3A_66 = tpu.memref_squeeze %dma_start3A_65 : memref<1x128xi32, #tpu.memory_space<vmem>> -> memref<128xi32, #tpu.memory_space<vmem>>
    %dma_start3A_67 = arith.constant 0 : i32
    %dma_start3A_68 = tpu.memref_slice %arg6[%dma_start3A_67] : memref<1000000xf32, #tpu.memory_space<hbm>> -> memref<1000000xf32, #tpu.memory_space<hbm>>
    tpu.enqueue_indirect_dma source(%dma_start3A_68 : memref<1000000xf32, #tpu.memory_space<hbm>>) target(%dma_start3A_63 : memref<128xf32, #tpu.memory_space<vmem>>) offsets(%dma_start3A_66 : memref<128xi32, #tpu.memory_space<vmem>>) semaphore(%arg18 : memref<!tpu.dma_semaphore, #tpu.memory_space<semaphore_mem>>)
    %dma_start3A_69 = arith.constant 1 : i32
    %dma_start3A_70 = arith.constant 128 : i32
    %dma_start3A_71 = arith.constant 0 : i32
    %dma_start3A_72 = tpu.memref_slice %arg12[%dma_start3A_70, %dma_start3A_71] : memref<512x32xf32, #tpu.memory_space<vmem>> -> memref<128x32xf32, #tpu.memory_space<vmem>>
    %dma_start3A_73 = arith.constant 0 : i32
    %dma_start3A_74 = tpu.memref_slice %arg10[%dma_start3A_69, %dma_start3A_73] : memref<4x128xi32, #tpu.memory_space<vmem>> -> memref<1x128xi32, #tpu.memory_space<vmem>>
    %dma_start3A_75 = tpu.memref_squeeze %dma_start3A_74 : memref<1x128xi32, #tpu.memory_space<vmem>> -> memref<128xi32, #tpu.memory_space<vmem>>
    %dma_start3A_76 = arith.constant 0 : i32
    %dma_start3A_77 = arith.constant 0 : i32
    %dma_start3A_78 = tpu.memref_slice %arg7[%dma_start3A_76, %dma_start3A_77] : memref<1000000x32xf32, #tpu.memory_space<hbm>> -> memref<1000000x32xf32, #tpu.memory_space<hbm>>
    tpu.enqueue_indirect_dma source(%dma_start3A_78 : memref<1000000x32xf32, #tpu.memory_space<hbm>>) target(%dma_start3A_72 : memref<128x32xf32, #tpu.memory_space<vmem>>) offsets(%dma_start3A_75 : memref<128xi32, #tpu.memory_space<vmem>>) semaphore(%arg18 : memref<!tpu.dma_semaphore, #tpu.memory_space<semaphore_mem>>)
    %dma_start3A_79 = arith.constant 1 : i32
    %dma_start3A_80 = arith.constant 128 : i32
    %dma_start3A_81 = arith.constant 0 : i32
    %dma_start3A_82 = tpu.memref_slice %arg13[%dma_start3A_80, %dma_start3A_81] : memref<512x32xf32, #tpu.memory_space<vmem>> -> memref<128x32xf32, #tpu.memory_space<vmem>>
    %dma_start3A_83 = arith.constant 0 : i32
    %dma_start3A_84 = tpu.memref_slice %arg11[%dma_start3A_79, %dma_start3A_83] : memref<4x128xi32, #tpu.memory_space<vmem>> -> memref<1x128xi32, #tpu.memory_space<vmem>>
    %dma_start3A_85 = tpu.memref_squeeze %dma_start3A_84 : memref<1x128xi32, #tpu.memory_space<vmem>> -> memref<128xi32, #tpu.memory_space<vmem>>
    %dma_start3A_86 = arith.constant 0 : i32
    %dma_start3A_87 = arith.constant 0 : i32
    %dma_start3A_88 = tpu.memref_slice %arg8[%dma_start3A_86, %dma_start3A_87] : memref<1000000x32xf32, #tpu.memory_space<hbm>> -> memref<1000000x32xf32, #tpu.memory_space<hbm>>
    tpu.enqueue_indirect_dma source(%dma_start3A_88 : memref<1000000x32xf32, #tpu.memory_space<hbm>>) target(%dma_start3A_82 : memref<128x32xf32, #tpu.memory_space<vmem>>) offsets(%dma_start3A_85 : memref<128xi32, #tpu.memory_space<vmem>>) semaphore(%arg18 : memref<!tpu.dma_semaphore, #tpu.memory_space<semaphore_mem>>)
    %dma_start3A_89 = arith.constant 2 : i32
    %dma_start3A_90 = arith.constant 256 : i32
    %dma_start3A_91 = tpu.memref_slice %arg14[%dma_start3A_90] : memref<512xf32, #tpu.memory_space<vmem>> -> memref<128xf32, #tpu.memory_space<vmem>>
    %dma_start3A_92 = arith.constant 0 : i32
    %dma_start3A_93 = tpu.memref_slice %arg10[%dma_start3A_89, %dma_start3A_92] : memref<4x128xi32, #tpu.memory_space<vmem>> -> memref<1x128xi32, #tpu.memory_space<vmem>>
    %dma_start3A_94 = tpu.memref_squeeze %dma_start3A_93 : memref<1x128xi32, #tpu.memory_space<vmem>> -> memref<128xi32, #tpu.memory_space<vmem>>
    %dma_start3A_95 = arith.constant 0 : i32
    %dma_start3A_96 = tpu.memref_slice %arg5[%dma_start3A_95] : memref<1000000xf32, #tpu.memory_space<hbm>> -> memref<1000000xf32, #tpu.memory_space<hbm>>
    tpu.enqueue_indirect_dma source(%dma_start3A_96 : memref<1000000xf32, #tpu.memory_space<hbm>>) target(%dma_start3A_91 : memref<128xf32, #tpu.memory_space<vmem>>) offsets(%dma_start3A_94 : memref<128xi32, #tpu.memory_space<vmem>>) semaphore(%arg18 : memref<!tpu.dma_semaphore, #tpu.memory_space<semaphore_mem>>)
    %dma_start3A_97 = arith.constant 2 : i32
    %dma_start3A_98 = arith.constant 256 : i32
    %dma_start3A_99 = tpu.memref_slice %arg15[%dma_start3A_98] : memref<512xf32, #tpu.memory_space<vmem>> -> memref<128xf32, #tpu.memory_space<vmem>>
    %dma_start3A_100 = arith.constant 0 : i32
    %dma_start3A_101 = tpu.memref_slice %arg11[%dma_start3A_97, %dma_start3A_100] : memref<4x128xi32, #tpu.memory_space<vmem>> -> memref<1x128xi32, #tpu.memory_space<vmem>>
    %dma_start3A_102 = tpu.memref_squeeze %dma_start3A_101 : memref<1x128xi32, #tpu.memory_space<vmem>> -> memref<128xi32, #tpu.memory_space<vmem>>
    %dma_start3A_103 = arith.constant 0 : i32
    %dma_start3A_104 = tpu.memref_slice %arg6[%dma_start3A_103] : memref<1000000xf32, #tpu.memory_space<hbm>> -> memref<1000000xf32, #tpu.memory_space<hbm>>
    tpu.enqueue_indirect_dma source(%dma_start3A_104 : memref<1000000xf32, #tpu.memory_space<hbm>>) target(%dma_start3A_99 : memref<128xf32, #tpu.memory_space<vmem>>) offsets(%dma_start3A_102 : memref<128xi32, #tpu.memory_space<vmem>>) semaphore(%arg18 : memref<!tpu.dma_semaphore, #tpu.memory_space<semaphore_mem>>)
    %dma_start3A_105 = arith.constant 2 : i32
    %dma_start3A_106 = arith.constant 256 : i32
    %dma_start3A_107 = arith.constant 0 : i32
    %dma_start3A_108 = tpu.memref_slice %arg12[%dma_start3A_106, %dma_start3A_107] : memref<512x32xf32, #tpu.memory_space<vmem>> -> memref<128x32xf32, #tpu.memory_space<vmem>>
    %dma_start3A_109 = arith.constant 0 : i32
    %dma_start3A_110 = tpu.memref_slice %arg10[%dma_start3A_105, %dma_start3A_109] : memref<4x128xi32, #tpu.memory_space<vmem>> -> memref<1x128xi32, #tpu.memory_space<vmem>>
    %dma_start3A_111 = tpu.memref_squeeze %dma_start3A_110 : memref<1x128xi32, #tpu.memory_space<vmem>> -> memref<128xi32, #tpu.memory_space<vmem>>
    %dma_start3A_112 = arith.constant 0 : i32
    %dma_start3A_113 = arith.constant 0 : i32
    %dma_start3A_114 = tpu.memref_slice %arg7[%dma_start3A_112, %dma_start3A_113] : memref<1000000x32xf32, #tpu.memory_space<hbm>> -> memref<1000000x32xf32, #tpu.memory_space<hbm>>
    tpu.enqueue_indirect_dma source(%dma_start3A_114 : memref<1000000x32xf32, #tpu.memory_space<hbm>>) target(%dma_start3A_108 : memref<128x32xf32, #tpu.memory_space<vmem>>) offsets(%dma_start3A_111 : memref<128xi32, #tpu.memory_space<vmem>>) semaphore(%arg18 : memref<!tpu.dma_semaphore, #tpu.memory_space<semaphore_mem>>)
    %dma_start3A_115 = arith.constant 2 : i32
    %dma_start3A_116 = arith.constant 256 : i32
    %dma_start3A_117 = arith.constant 0 : i32
    %dma_start3A_118 = tpu.memref_slice %arg13[%dma_start3A_116, %dma_start3A_117] : memref<512x32xf32, #tpu.memory_space<vmem>> -> memref<128x32xf32, #tpu.memory_space<vmem>>
    %dma_start3A_119 = arith.constant 0 : i32
    %dma_start3A_120 = tpu.memref_slice %arg11[%dma_start3A_115, %dma_start3A_119] : memref<4x128xi32, #tpu.memory_space<vmem>> -> memref<1x128xi32, #tpu.memory_space<vmem>>
    %dma_start3A_121 = tpu.memref_squeeze %dma_start3A_120 : memref<1x128xi32, #tpu.memory_space<vmem>> -> memref<128xi32, #tpu.memory_space<vmem>>
    %dma_start3A_122 = arith.constant 0 : i32
    %dma_start3A_123 = arith.constant 0 : i32
    %dma_start3A_124 = tpu.memref_slice %arg8[%dma_start3A_122, %dma_start3A_123] : memref<1000000x32xf32, #tpu.memory_space<hbm>> -> memref<1000000x32xf32, #tpu.memory_space<hbm>>
    tpu.enqueue_indirect_dma source(%dma_start3A_124 : memref<1000000x32xf32, #tpu.memory_space<hbm>>) target(%dma_start3A_118 : memref<128x32xf32, #tpu.memory_space<vmem>>) offsets(%dma_start3A_121 : memref<128xi32, #tpu.memory_space<vmem>>) semaphore(%arg18 : memref<!tpu.dma_semaphore, #tpu.memory_space<semaphore_mem>>)
    %dma_start3A_125 = arith.constant 3 : i32
    %dma_start3A_126 = arith.constant 384 : i32
    %dma_start3A_127 = tpu.memref_slice %arg14[%dma_start3A_126] : memref<512xf32, #tpu.memory_space<vmem>> -> memref<128xf32, #tpu.memory_space<vmem>>
    %dma_start3A_128 = arith.constant 0 : i32
    %dma_start3A_129 = tpu.memref_slice %arg10[%dma_start3A_125, %dma_start3A_128] : memref<4x128xi32, #tpu.memory_space<vmem>> -> memref<1x128xi32, #tpu.memory_space<vmem>>
    %dma_start3A_130 = tpu.memref_squeeze %dma_start3A_129 : memref<1x128xi32, #tpu.memory_space<vmem>> -> memref<128xi32, #tpu.memory_space<vmem>>
    %dma_start3A_131 = arith.constant 0 : i32
    %dma_start3A_132 = tpu.memref_slice %arg5[%dma_start3A_131] : memref<1000000xf32, #tpu.memory_space<hbm>> -> memref<1000000xf32, #tpu.memory_space<hbm>>
    tpu.enqueue_indirect_dma source(%dma_start3A_132 : memref<1000000xf32, #tpu.memory_space<hbm>>) target(%dma_start3A_127 : memref<128xf32, #tpu.memory_space<vmem>>) offsets(%dma_start3A_130 : memref<128xi32, #tpu.memory_space<vmem>>) semaphore(%arg18 : memref<!tpu.dma_semaphore, #tpu.memory_space<semaphore_mem>>)
    %dma_start3A_133 = arith.constant 3 : i32
    %dma_start3A_134 = arith.constant 384 : i32
    %dma_start3A_135 = tpu.memref_slice %arg15[%dma_start3A_134] : memref<512xf32, #tpu.memory_space<vmem>> -> memref<128xf32, #tpu.memory_space<vmem>>
    %dma_start3A_136 = arith.constant 0 : i32
    %dma_start3A_137 = tpu.memref_slice %arg11[%dma_start3A_133, %dma_start3A_136] : memref<4x128xi32, #tpu.memory_space<vmem>> -> memref<1x128xi32, #tpu.memory_space<vmem>>
    %dma_start3A_138 = tpu.memref_squeeze %dma_start3A_137 : memref<1x128xi32, #tpu.memory_space<vmem>> -> memref<128xi32, #tpu.memory_space<vmem>>
    %dma_start3A_139 = arith.constant 0 : i32
    %dma_start3A_140 = tpu.memref_slice %arg6[%dma_start3A_139] : memref<1000000xf32, #tpu.memory_space<hbm>> -> memref<1000000xf32, #tpu.memory_space<hbm>>
    tpu.enqueue_indirect_dma source(%dma_start3A_140 : memref<1000000xf32, #tpu.memory_space<hbm>>) target(%dma_start3A_135 : memref<128xf32, #tpu.memory_space<vmem>>) offsets(%dma_start3A_138 : memref<128xi32, #tpu.memory_space<vmem>>) semaphore(%arg18 : memref<!tpu.dma_semaphore, #tpu.memory_space<semaphore_mem>>)
    %dma_start3A_141 = arith.constant 3 : i32
    %dma_start3A_142 = arith.constant 384 : i32
    %dma_start3A_143 = arith.constant 0 : i32
    %dma_start3A_144 = tpu.memref_slice %arg12[%dma_start3A_142, %dma_start3A_143] : memref<512x32xf32, #tpu.memory_space<vmem>> -> memref<128x32xf32, #tpu.memory_space<vmem>>
    %dma_start3A_145 = arith.constant 0 : i32
    %dma_start3A_146 = tpu.memref_slice %arg10[%dma_start3A_141, %dma_start3A_145] : memref<4x128xi32, #tpu.memory_space<vmem>> -> memref<1x128xi32, #tpu.memory_space<vmem>>
    %dma_start3A_147 = tpu.memref_squeeze %dma_start3A_146 : memref<1x128xi32, #tpu.memory_space<vmem>> -> memref<128xi32, #tpu.memory_space<vmem>>
    %dma_start3A_148 = arith.constant 0 : i32
    %dma_start3A_149 = arith.constant 0 : i32
    %dma_start3A_150 = tpu.memref_slice %arg7[%dma_start3A_148, %dma_start3A_149] : memref<1000000x32xf32, #tpu.memory_space<hbm>> -> memref<1000000x32xf32, #tpu.memory_space<hbm>>
    tpu.enqueue_indirect_dma source(%dma_start3A_150 : memref<1000000x32xf32, #tpu.memory_space<hbm>>) target(%dma_start3A_144 : memref<128x32xf32, #tpu.memory_space<vmem>>) offsets(%dma_start3A_147 : memref<128xi32, #tpu.memory_space<vmem>>) semaphore(%arg18 : memref<!tpu.dma_semaphore, #tpu.memory_space<semaphore_mem>>)
    %dma_start3A_151 = arith.constant 3 : i32
    %dma_start3A_152 = arith.constant 384 : i32
    %dma_start3A_153 = arith.constant 0 : i32
    %dma_start3A_154 = tpu.memref_slice %arg13[%dma_start3A_152, %dma_start3A_153] : memref<512x32xf32, #tpu.memory_space<vmem>> -> memref<128x32xf32, #tpu.memory_space<vmem>>
    %dma_start3A_155 = arith.constant 0 : i32
    %dma_start3A_156 = tpu.memref_slice %arg11[%dma_start3A_151, %dma_start3A_155] : memref<4x128xi32, #tpu.memory_space<vmem>> -> memref<1x128xi32, #tpu.memory_space<vmem>>
    %dma_start3A_157 = tpu.memref_squeeze %dma_start3A_156 : memref<1x128xi32, #tpu.memory_space<vmem>> -> memref<128xi32, #tpu.memory_space<vmem>>
    %dma_start3A_158 = arith.constant 0 : i32
    %dma_start3A_159 = arith.constant 0 : i32
    %dma_start3A_160 = tpu.memref_slice %arg8[%dma_start3A_158, %dma_start3A_159] : memref<1000000x32xf32, #tpu.memory_space<hbm>> -> memref<1000000x32xf32, #tpu.memory_space<hbm>>
    tpu.enqueue_indirect_dma source(%dma_start3A_160 : memref<1000000x32xf32, #tpu.memory_space<hbm>>) target(%dma_start3A_154 : memref<128x32xf32, #tpu.memory_space<vmem>>) offsets(%dma_start3A_157 : memref<128xi32, #tpu.memory_space<vmem>>) semaphore(%arg18 : memref<!tpu.dma_semaphore, #tpu.memory_space<semaphore_mem>>)
    %dma_wait3A = arith.constant 0 : i32
    %dma_wait3A_161 = tpu.memref_slice %arg5[%dma_wait3A] : memref<1000000xf32, #tpu.memory_space<hbm>> -> memref<512xf32, #tpu.memory_space<hbm>>
    %dma_wait3A_162 = arith.constant 0 : i32
    %dma_wait3A_163 = tpu.memref_slice %arg5[%dma_wait3A_162] : memref<1000000xf32, #tpu.memory_space<hbm>> -> memref<512xf32, #tpu.memory_space<hbm>>
    tpu.wait_dma2 semaphore(%arg18 : memref<!tpu.dma_semaphore, #tpu.memory_space<semaphore_mem>>) src(%dma_wait3A_163 : memref<512xf32, #tpu.memory_space<hbm>>) dst(%arg14 : memref<512xf32, #tpu.memory_space<vmem>>)
    %dma_wait3A_164 = arith.constant 0 : i32
    %dma_wait3A_165 = tpu.memref_slice %arg6[%dma_wait3A_164] : memref<1000000xf32, #tpu.memory_space<hbm>> -> memref<512xf32, #tpu.memory_space<hbm>>
    %dma_wait3A_166 = arith.constant 0 : i32
    %dma_wait3A_167 = tpu.memref_slice %arg6[%dma_wait3A_166] : memref<1000000xf32, #tpu.memory_space<hbm>> -> memref<512xf32, #tpu.memory_space<hbm>>
    tpu.wait_dma2 semaphore(%arg18 : memref<!tpu.dma_semaphore, #tpu.memory_space<semaphore_mem>>) src(%dma_wait3A_167 : memref<512xf32, #tpu.memory_space<hbm>>) dst(%arg15 : memref<512xf32, #tpu.memory_space<vmem>>)
    %dma_wait3A_168 = arith.constant 0 : i32
    %dma_wait3A_169 = arith.constant 0 : i32
    %dma_wait3A_170 = tpu.memref_slice %arg7[%dma_wait3A_168, %dma_wait3A_169] : memref<1000000x32xf32, #tpu.memory_space<hbm>> -> memref<512x32xf32, #tpu.memory_space<hbm>>
    %dma_wait3A_171 = arith.constant 0 : i32
    %dma_wait3A_172 = arith.constant 0 : i32
    %dma_wait3A_173 = tpu.memref_slice %arg7[%dma_wait3A_171, %dma_wait3A_172] : memref<1000000x32xf32, #tpu.memory_space<hbm>> -> memref<512x32xf32, #tpu.memory_space<hbm>>
    tpu.wait_dma2 semaphore(%arg18 : memref<!tpu.dma_semaphore, #tpu.memory_space<semaphore_mem>>) src(%dma_wait3A_173 : memref<512x32xf32, #tpu.memory_space<hbm>>) dst(%arg12 : memref<512x32xf32, #tpu.memory_space<vmem>>)
    %dma_wait3A_174 = arith.constant 0 : i32
    %dma_wait3A_175 = arith.constant 0 : i32
    %dma_wait3A_176 = tpu.memref_slice %arg8[%dma_wait3A_174, %dma_wait3A_175] : memref<1000000x32xf32, #tpu.memory_space<hbm>> -> memref<512x32xf32, #tpu.memory_space<hbm>>
    %dma_wait3A_177 = arith.constant 0 : i32
    %dma_wait3A_178 = arith.constant 0 : i32
    %dma_wait3A_179 = tpu.memref_slice %arg8[%dma_wait3A_177, %dma_wait3A_178] : memref<1000000x32xf32, #tpu.memory_space<hbm>> -> memref<512x32xf32, #tpu.memory_space<hbm>>
    tpu.wait_dma2 semaphore(%arg18 : memref<!tpu.dma_semaphore, #tpu.memory_space<semaphore_mem>>) src(%dma_wait3A_179 : memref<512x32xf32, #tpu.memory_space<hbm>>) dst(%arg13 : memref<512x32xf32, #tpu.memory_space<vmem>>)
    %get3A = arith.constant 0 : index
    %get3A_180 = tpu.vector_load %arg17[%get3A] {strides = array<i32>} : memref<16xf32, #tpu.memory_space<vmem>>, vector<16xf32>,
    %iota3A = tpu.iota {dimensions = array<i32: 0>} : vector<16xi32>
    %scan3A = arith.constant 0 : i32
    %scan3A_181 = arith.constant 32 : i32
    %scan3A_182 = arith.addi %scan3A, %scan3A_181 : i32
    %scan3A_183 = arith.constant 1 : i32
    scf.for %scan3A_185 = %scan3A to %scan3A_182 step %scan3A_183  : i32 {
      %mul3A_186 = arith.constant 16 : i32
      %mul3A_187 = arith.muli %scan3A_185, %mul3A_186 : i32
      %get3A_188 = arith.index_cast %mul3A_187 : i32 to index
      %get3A_189 = tpu.vector_load %arg14[%get3A_188] {strides = array<i32>} : memref<512xf32, #tpu.memory_space<vmem>>, vector<16xf32>,
      %get3A_190 = arith.index_cast %mul3A_187 : i32 to index
      %get3A_191 = tpu.vector_load %arg15[%get3A_190] {strides = array<i32>} : memref<512xf32, #tpu.memory_space<vmem>>, vector<16xf32>,
      %add3A_192 = arith.addf %get3A_189, %get3A_191 : vector<16xf32>
      %add3A_193 = arith.addf %add3A_192, %get3A_180 : vector<16xf32>
      %mul3A_194 = arith.constant 16 : i32
      %mul3A_195 = arith.muli %scan3A_185, %mul3A_194 : i32
      %add3A_196 = arith.constant 0 : i32
      %add3A_197 = arith.addi %mul3A_195, %add3A_196 : i32
      %get3A_198 = arith.index_cast %add3A_197 : i32 to index
      %get3A_199 = arith.constant 0 : index
      %get3A_200 = tpu.vector_load %arg12[%get3A_198, %get3A_199] {strides = array<i32>} : memref<512x32xf32, #tpu.memory_space<vmem>>, vector<16xf32>,
      %get3A_201 = arith.index_cast %add3A_197 : i32 to index
      %get3A_202 = arith.constant 16 : index
      %get3A_203 = tpu.vector_load %arg12[%get3A_201, %get3A_202] {strides = array<i32>} : memref<512x32xf32, #tpu.memory_space<vmem>>, vector<16xf32>,
      %get3A_204 = arith.index_cast %add3A_197 : i32 to index
      %get3A_205 = arith.constant 0 : index
      %get3A_206 = tpu.vector_load %arg13[%get3A_204, %get3A_205] {strides = array<i32>} : memref<512x32xf32, #tpu.memory_space<vmem>>, vector<16xf32>,
      %get3A_207 = arith.index_cast %add3A_197 : i32 to index
      %get3A_208 = arith.constant 16 : index
      %get3A_209 = tpu.vector_load %arg13[%get3A_207, %get3A_208] {strides = array<i32>} : memref<512x32xf32, #tpu.memory_space<vmem>>, vector<16xf32>,
      %mul3A_210 = arith.mulf %get3A_200, %get3A_206 : vector<16xf32>
      %mul3A_211 = arith.mulf %get3A_203, %get3A_209 : vector<16xf32>
      %add3A_212 = arith.addf %mul3A_210, %mul3A_211 : vector<16xf32>
      %reduce_sum3A = arith.constant true
      %reduce_sum3A_213 = vector.broadcast %reduce_sum3A : i1 to vector<16xi1>
      %reduce_sum3A_214 = tpu.scan <sum>, %add3A_212 masked %reduce_sum3A_213 : vector<16xf32>, vector<16xi1> -> vector<16xf32>
      %reduce_sum3A_215 = vector.extract %reduce_sum3A_214[15] : f32 from vector<16xf32>
      %eq3A = arith.constant 0 : i32
      %eq3A_216 = vector.broadcast %eq3A : i32 to vector<16xi32>
      %eq3A_217 = arith.cmpi eq, %iota3A, %eq3A_216 : vector<16xi32>
      %add3A_218 = vector.broadcast %reduce_sum3A_215 : f32 to vector<16xf32>
      %add3A_219 = arith.addf %add3A_193, %add3A_218 : vector<16xf32>
      %select_n3A = arith.select %eq3A_217, %add3A_219, %add3A_193 : vector<16xi1>, vector<16xf32>
      %mul3A_220 = arith.constant 16 : i32
      %mul3A_221 = arith.muli %scan3A_185, %mul3A_220 : i32
      %add3A_222 = arith.constant 1 : i32
      %add3A_223 = arith.addi %mul3A_221, %add3A_222 : i32
      %get3A_224 = arith.index_cast %add3A_223 : i32 to index
      %get3A_225 = arith.constant 0 : index
      %get3A_226 = tpu.vector_load %arg12[%get3A_224, %get3A_225] {strides = array<i32>} : memref<512x32xf32, #tpu.memory_space<vmem>>, vector<16xf32>,
      %get3A_227 = arith.index_cast %add3A_223 : i32 to index
      %get3A_228 = arith.constant 16 : index
      %get3A_229 = tpu.vector_load %arg12[%get3A_227, %get3A_228] {strides = array<i32>} : memref<512x32xf32, #tpu.memory_space<vmem>>, vector<16xf32>,
      %get3A_230 = arith.index_cast %add3A_223 : i32 to index
      %get3A_231 = arith.constant 0 : index
      %get3A_232 = tpu.vector_load %arg13[%get3A_230, %get3A_231] {strides = array<i32>} : memref<512x32xf32, #tpu.memory_space<vmem>>, vector<16xf32>,
      %get3A_233 = arith.index_cast %add3A_223 : i32 to index
      %get3A_234 = arith.constant 16 : index
      %get3A_235 = tpu.vector_load %arg13[%get3A_233, %get3A_234] {strides = array<i32>} : memref<512x32xf32, #tpu.memory_space<vmem>>, vector<16xf32>,
      %mul3A_236 = arith.mulf %get3A_226, %get3A_232 : vector<16xf32>
      %mul3A_237 = arith.mulf %get3A_229, %get3A_235 : vector<16xf32>
      %add3A_238 = arith.addf %mul3A_236, %mul3A_237 : vector<16xf32>
      %reduce_sum3A_239 = arith.constant true
      %reduce_sum3A_240 = vector.broadcast %reduce_sum3A_239 : i1 to vector<16xi1>
      %reduce_sum3A_241 = tpu.scan <sum>, %add3A_238 masked %reduce_sum3A_240 : vector<16xf32>, vector<16xi1> -> vector<16xf32>
      %reduce_sum3A_242 = vector.extract %reduce_sum3A_241[15] : f32 from vector<16xf32>
      %eq3A_243 = arith.constant 1 : i32
      %eq3A_244 = vector.broadcast %eq3A_243 : i32 to vector<16xi32>
      %eq3A_245 = arith.cmpi eq, %iota3A, %eq3A_244 : vector<16xi32>
      %add3A_246 = vector.broadcast %reduce_sum3A_242 : f32 to vector<16xf32>
      %add3A_247 = arith.addf %select_n3A, %add3A_246 : vector<16xf32>
      %select_n3A_248 = arith.select %eq3A_245, %add3A_247, %select_n3A : vector<16xi1>, vector<16xf32>
      %mul3A_249 = arith.constant 16 : i32
      %mul3A_250 = arith.muli %scan3A_185, %mul3A_249 : i32
      %add3A_251 = arith.constant 2 : i32
      %add3A_252 = arith.addi %mul3A_250, %add3A_251 : i32
      %get3A_253 = arith.index_cast %add3A_252 : i32 to index
      %get3A_254 = arith.constant 0 : index
      %get3A_255 = tpu.vector_load %arg12[%get3A_253, %get3A_254] {strides = array<i32>} : memref<512x32xf32, #tpu.memory_space<vmem>>, vector<16xf32>,
      %get3A_256 = arith.index_cast %add3A_252 : i32 to index
      %get3A_257 = arith.constant 16 : index
      %get3A_258 = tpu.vector_load %arg12[%get3A_256, %get3A_257] {strides = array<i32>} : memref<512x32xf32, #tpu.memory_space<vmem>>, vector<16xf32>,
      %get3A_259 = arith.index_cast %add3A_252 : i32 to index
      %get3A_260 = arith.constant 0 : index
      %get3A_261 = tpu.vector_load %arg13[%get3A_259, %get3A_260] {strides = array<i32>} : memref<512x32xf32, #tpu.memory_space<vmem>>, vector<16xf32>,
      %get3A_262 = arith.index_cast %add3A_252 : i32 to index
      %get3A_263 = arith.constant 16 : index
      %get3A_264 = tpu.vector_load %arg13[%get3A_262, %get3A_263] {strides = array<i32>} : memref<512x32xf32, #tpu.memory_space<vmem>>, vector<16xf32>,
      %mul3A_265 = arith.mulf %get3A_255, %get3A_261 : vector<16xf32>
      %mul3A_266 = arith.mulf %get3A_258, %get3A_264 : vector<16xf32>
      %add3A_267 = arith.addf %mul3A_265, %mul3A_266 : vector<16xf32>
      %reduce_sum3A_268 = arith.constant true
      %reduce_sum3A_269 = vector.broadcast %reduce_sum3A_268 : i1 to vector<16xi1>
      %reduce_sum3A_270 = tpu.scan <sum>, %add3A_267 masked %reduce_sum3A_269 : vector<16xf32>, vector<16xi1> -> vector<16xf32>
      %reduce_sum3A_271 = vector.extract %reduce_sum3A_270[15] : f32 from vector<16xf32>
      %eq3A_272 = arith.constant 2 : i32
      %eq3A_273 = vector.broadcast %eq3A_272 : i32 to vector<16xi32>
      %eq3A_274 = arith.cmpi eq, %iota3A, %eq3A_273 : vector<16xi32>
      %add3A_275 = vector.broadcast %reduce_sum3A_271 : f32 to vector<16xf32>
      %add3A_276 = arith.addf %select_n3A_248, %add3A_275 : vector<16xf32>
      %select_n3A_277 = arith.select %eq3A_274, %add3A_276, %select_n3A_248 : vector<16xi1>, vector<16xf32>
      %mul3A_278 = arith.constant 16 : i32
      %mul3A_279 = arith.muli %scan3A_185, %mul3A_278 : i32
      %add3A_280 = arith.constant 3 : i32
      %add3A_281 = arith.addi %mul3A_279, %add3A_280 : i32
      %get3A_282 = arith.index_cast %add3A_281 : i32 to index
      %get3A_283 = arith.constant 0 : index
      %get3A_284 = tpu.vector_load %arg12[%get3A_282, %get3A_283] {strides = array<i32>} : memref<512x32xf32, #tpu.memory_space<vmem>>, vector<16xf32>,
      %get3A_285 = arith.index_cast %add3A_281 : i32 to index
      %get3A_286 = arith.constant 16 : index
      %get3A_287 = tpu.vector_load %arg12[%get3A_285, %get3A_286] {strides = array<i32>} : memref<512x32xf32, #tpu.memory_space<vmem>>, vector<16xf32>,
      %get3A_288 = arith.index_cast %add3A_281 : i32 to index
      %get3A_289 = arith.constant 0 : index
      %get3A_290 = tpu.vector_load %arg13[%get3A_288, %get3A_289] {strides = array<i32>} : memref<512x32xf32, #tpu.memory_space<vmem>>, vector<16xf32>,
      %get3A_291 = arith.index_cast %add3A_281 : i32 to index
      %get3A_292 = arith.constant 16 : index
      %get3A_293 = tpu.vector_load %arg13[%get3A_291, %get3A_292] {strides = array<i32>} : memref<512x32xf32, #tpu.memory_space<vmem>>, vector<16xf32>,
      %mul3A_294 = arith.mulf %get3A_284, %get3A_290 : vector<16xf32>
      %mul3A_295 = arith.mulf %get3A_287, %get3A_293 : vector<16xf32>
      %add3A_296 = arith.addf %mul3A_294, %mul3A_295 : vector<16xf32>
      %reduce_sum3A_297 = arith.constant true
      %reduce_sum3A_298 = vector.broadcast %reduce_sum3A_297 : i1 to vector<16xi1>
      %reduce_sum3A_299 = tpu.scan <sum>, %add3A_296 masked %reduce_sum3A_298 : vector<16xf32>, vector<16xi1> -> vector<16xf32>
      %reduce_sum3A_300 = vector.extract %reduce_sum3A_299[15] : f32 from vector<16xf32>
      %eq3A_301 = arith.constant 3 : i32
      %eq3A_302 = vector.broadcast %eq3A_301 : i32 to vector<16xi32>
      %eq3A_303 = arith.cmpi eq, %iota3A, %eq3A_302 : vector<16xi32>
      %add3A_304 = vector.broadcast %reduce_sum3A_300 : f32 to vector<16xf32>
      %add3A_305 = arith.addf %select_n3A_277, %add3A_304 : vector<16xf32>
      %select_n3A_306 = arith.select %eq3A_303, %add3A_305, %select_n3A_277 : vector<16xi1>, vector<16xf32>
      %mul3A_307 = arith.constant 16 : i32
      %mul3A_308 = arith.muli %scan3A_185, %mul3A_307 : i32
      %add3A_309 = arith.constant 4 : i32
      %add3A_310 = arith.addi %mul3A_308, %add3A_309 : i32
      %get3A_311 = arith.index_cast %add3A_310 : i32 to index
      %get3A_312 = arith.constant 0 : index
      %get3A_313 = tpu.vector_load %arg12[%get3A_311, %get3A_312] {strides = array<i32>} : memref<512x32xf32, #tpu.memory_space<vmem>>, vector<16xf32>,
      %get3A_314 = arith.index_cast %add3A_310 : i32 to index
      %get3A_315 = arith.constant 16 : index
      %get3A_316 = tpu.vector_load %arg12[%get3A_314, %get3A_315] {strides = array<i32>} : memref<512x32xf32, #tpu.memory_space<vmem>>, vector<16xf32>,
      %get3A_317 = arith.index_cast %add3A_310 : i32 to index
      %get3A_318 = arith.constant 0 : index
      %get3A_319 = tpu.vector_load %arg13[%get3A_317, %get3A_318] {strides = array<i32>} : memref<512x32xf32, #tpu.memory_space<vmem>>, vector<16xf32>,
      %get3A_320 = arith.index_cast %add3A_310 : i32 to index
      %get3A_321 = arith.constant 16 : index
      %get3A_322 = tpu.vector_load %arg13[%get3A_320, %get3A_321] {strides = array<i32>} : memref<512x32xf32, #tpu.memory_space<vmem>>, vector<16xf32>,
      %mul3A_323 = arith.mulf %get3A_313, %get3A_319 : vector<16xf32>
      %mul3A_324 = arith.mulf %get3A_316, %get3A_322 : vector<16xf32>
      %add3A_325 = arith.addf %mul3A_323, %mul3A_324 : vector<16xf32>
      %reduce_sum3A_326 = arith.constant true
      %reduce_sum3A_327 = vector.broadcast %reduce_sum3A_326 : i1 to vector<16xi1>
      %reduce_sum3A_328 = tpu.scan <sum>, %add3A_325 masked %reduce_sum3A_327 : vector<16xf32>, vector<16xi1> -> vector<16xf32>
      %reduce_sum3A_329 = vector.extract %reduce_sum3A_328[15] : f32 from vector<16xf32>
      %eq3A_330 = arith.constant 4 : i32
      %eq3A_331 = vector.broadcast %eq3A_330 : i32 to vector<16xi32>
      %eq3A_332 = arith.cmpi eq, %iota3A, %eq3A_331 : vector<16xi32>
      %add3A_333 = vector.broadcast %reduce_sum3A_329 : f32 to vector<16xf32>
      %add3A_334 = arith.addf %select_n3A_306, %add3A_333 : vector<16xf32>
      %select_n3A_335 = arith.select %eq3A_332, %add3A_334, %select_n3A_306 : vector<16xi1>, vector<16xf32>
      %mul3A_336 = arith.constant 16 : i32
      %mul3A_337 = arith.muli %scan3A_185, %mul3A_336 : i32
      %add3A_338 = arith.constant 5 : i32
      %add3A_339 = arith.addi %mul3A_337, %add3A_338 : i32
      %get3A_340 = arith.index_cast %add3A_339 : i32 to index
      %get3A_341 = arith.constant 0 : index
      %get3A_342 = tpu.vector_load %arg12[%get3A_340, %get3A_341] {strides = array<i32>} : memref<512x32xf32, #tpu.memory_space<vmem>>, vector<16xf32>,
      %get3A_343 = arith.index_cast %add3A_339 : i32 to index
      %get3A_344 = arith.constant 16 : index
      %get3A_345 = tpu.vector_load %arg12[%get3A_343, %get3A_344] {strides = array<i32>} : memref<512x32xf32, #tpu.memory_space<vmem>>, vector<16xf32>,
      %get3A_346 = arith.index_cast %add3A_339 : i32 to index
      %get3A_347 = arith.constant 0 : index
      %get3A_348 = tpu.vector_load %arg13[%get3A_346, %get3A_347] {strides = array<i32>} : memref<512x32xf32, #tpu.memory_space<vmem>>, vector<16xf32>,
      %get3A_349 = arith.index_cast %add3A_339 : i32 to index
      %get3A_350 = arith.constant 16 : index
      %get3A_351 = tpu.vector_load %arg13[%get3A_349, %get3A_350] {strides = array<i32>} : memref<512x32xf32, #tpu.memory_space<vmem>>, vector<16xf32>,
      %mul3A_352 = arith.mulf %get3A_342, %get3A_348 : vector<16xf32>
      %mul3A_353 = arith.mulf %get3A_345, %get3A_351 : vector<16xf32>
      %add3A_354 = arith.addf %mul3A_352, %mul3A_353 : vector<16xf32>
      %reduce_sum3A_355 = arith.constant true
      %reduce_sum3A_356 = vector.broadcast %reduce_sum3A_355 : i1 to vector<16xi1>
      %reduce_sum3A_357 = tpu.scan <sum>, %add3A_354 masked %reduce_sum3A_356 : vector<16xf32>, vector<16xi1> -> vector<16xf32>
      %reduce_sum3A_358 = vector.extract %reduce_sum3A_357[15] : f32 from vector<16xf32>
      %eq3A_359 = arith.constant 5 : i32
      %eq3A_360 = vector.broadcast %eq3A_359 : i32 to vector<16xi32>
      %eq3A_361 = arith.cmpi eq, %iota3A, %eq3A_360 : vector<16xi32>
      %add3A_362 = vector.broadcast %reduce_sum3A_358 : f32 to vector<16xf32>
      %add3A_363 = arith.addf %select_n3A_335, %add3A_362 : vector<16xf32>
      %select_n3A_364 = arith.select %eq3A_361, %add3A_363, %select_n3A_335 : vector<16xi1>, vector<16xf32>
      %mul3A_365 = arith.constant 16 : i32
      %mul3A_366 = arith.muli %scan3A_185, %mul3A_365 : i32
      %add3A_367 = arith.constant 6 : i32
      %add3A_368 = arith.addi %mul3A_366, %add3A_367 : i32
      %get3A_369 = arith.index_cast %add3A_368 : i32 to index
      %get3A_370 = arith.constant 0 : index
      %get3A_371 = tpu.vector_load %arg12[%get3A_369, %get3A_370] {strides = array<i32>} : memref<512x32xf32, #tpu.memory_space<vmem>>, vector<16xf32>,
      %get3A_372 = arith.index_cast %add3A_368 : i32 to index
      %get3A_373 = arith.constant 16 : index
      %get3A_374 = tpu.vector_load %arg12[%get3A_372, %get3A_373] {strides = array<i32>} : memref<512x32xf32, #tpu.memory_space<vmem>>, vector<16xf32>,
      %get3A_375 = arith.index_cast %add3A_368 : i32 to index
      %get3A_376 = arith.constant 0 : index
      %get3A_377 = tpu.vector_load %arg13[%get3A_375, %get3A_376] {strides = array<i32>} : memref<512x32xf32, #tpu.memory_space<vmem>>, vector<16xf32>,
      %get3A_378 = arith.index_cast %add3A_368 : i32 to index
      %get3A_379 = arith.constant 16 : index
      %get3A_380 = tpu.vector_load %arg13[%get3A_378, %get3A_379] {strides = array<i32>} : memref<512x32xf32, #tpu.memory_space<vmem>>, vector<16xf32>,
      %mul3A_381 = arith.mulf %get3A_371, %get3A_377 : vector<16xf32>
      %mul3A_382 = arith.mulf %get3A_374, %get3A_380 : vector<16xf32>
      %add3A_383 = arith.addf %mul3A_381, %mul3A_382 : vector<16xf32>
      %reduce_sum3A_384 = arith.constant true
      %reduce_sum3A_385 = vector.broadcast %reduce_sum3A_384 : i1 to vector<16xi1>
      %reduce_sum3A_386 = tpu.scan <sum>, %add3A_383 masked %reduce_sum3A_385 : vector<16xf32>, vector<16xi1> -> vector<16xf32>
      %reduce_sum3A_387 = vector.extract %reduce_sum3A_386[15] : f32 from vector<16xf32>
      %eq3A_388 = arith.constant 6 : i32
      %eq3A_389 = vector.broadcast %eq3A_388 : i32 to vector<16xi32>
      %eq3A_390 = arith.cmpi eq, %iota3A, %eq3A_389 : vector<16xi32>
      %add3A_391 = vector.broadcast %reduce_sum3A_387 : f32 to vector<16xf32>
      %add3A_392 = arith.addf %select_n3A_364, %add3A_391 : vector<16xf32>
      %select_n3A_393 = arith.select %eq3A_390, %add3A_392, %select_n3A_364 : vector<16xi1>, vector<16xf32>
      %mul3A_394 = arith.constant 16 : i32
      %mul3A_395 = arith.muli %scan3A_185, %mul3A_394 : i32
      %add3A_396 = arith.constant 7 : i32
      %add3A_397 = arith.addi %mul3A_395, %add3A_396 : i32
      %get3A_398 = arith.index_cast %add3A_397 : i32 to index
      %get3A_399 = arith.constant 0 : index
      %get3A_400 = tpu.vector_load %arg12[%get3A_398, %get3A_399] {strides = array<i32>} : memref<512x32xf32, #tpu.memory_space<vmem>>, vector<16xf32>,
      %get3A_401 = arith.index_cast %add3A_397 : i32 to index
      %get3A_402 = arith.constant 16 : index
      %get3A_403 = tpu.vector_load %arg12[%get3A_401, %get3A_402] {strides = array<i32>} : memref<512x32xf32, #tpu.memory_space<vmem>>, vector<16xf32>,
      %get3A_404 = arith.index_cast %add3A_397 : i32 to index
      %get3A_405 = arith.constant 0 : index
      %get3A_406 = tpu.vector_load %arg13[%get3A_404, %get3A_405] {strides = array<i32>} : memref<512x32xf32, #tpu.memory_space<vmem>>, vector<16xf32>,
      %get3A_407 = arith.index_cast %add3A_397 : i32 to index
      %get3A_408 = arith.constant 16 : index
      %get3A_409 = tpu.vector_load %arg13[%get3A_407, %get3A_408] {strides = array<i32>} : memref<512x32xf32, #tpu.memory_space<vmem>>, vector<16xf32>,
      %mul3A_410 = arith.mulf %get3A_400, %get3A_406 : vector<16xf32>
      %mul3A_411 = arith.mulf %get3A_403, %get3A_409 : vector<16xf32>
      %add3A_412 = arith.addf %mul3A_410, %mul3A_411 : vector<16xf32>
      %reduce_sum3A_413 = arith.constant true
      %reduce_sum3A_414 = vector.broadcast %reduce_sum3A_413 : i1 to vector<16xi1>
      %reduce_sum3A_415 = tpu.scan <sum>, %add3A_412 masked %reduce_sum3A_414 : vector<16xf32>, vector<16xi1> -> vector<16xf32>
      %reduce_sum3A_416 = vector.extract %reduce_sum3A_415[15] : f32 from vector<16xf32>
      %eq3A_417 = arith.constant 7 : i32
      %eq3A_418 = vector.broadcast %eq3A_417 : i32 to vector<16xi32>
      %eq3A_419 = arith.cmpi eq, %iota3A, %eq3A_418 : vector<16xi32>
      %add3A_420 = vector.broadcast %reduce_sum3A_416 : f32 to vector<16xf32>
      %add3A_421 = arith.addf %select_n3A_393, %add3A_420 : vector<16xf32>
      %select_n3A_422 = arith.select %eq3A_419, %add3A_421, %select_n3A_393 : vector<16xi1>, vector<16xf32>
      %mul3A_423 = arith.constant 16 : i32
      %mul3A_424 = arith.muli %scan3A_185, %mul3A_423 : i32
      %add3A_425 = arith.constant 8 : i32
      %add3A_426 = arith.addi %mul3A_424, %add3A_425 : i32
      %get3A_427 = arith.index_cast %add3A_426 : i32 to index
      %get3A_428 = arith.constant 0 : index
      %get3A_429 = tpu.vector_load %arg12[%get3A_427, %get3A_428] {strides = array<i32>} : memref<512x32xf32, #tpu.memory_space<vmem>>, vector<16xf32>,
      %get3A_430 = arith.index_cast %add3A_426 : i32 to index
      %get3A_431 = arith.constant 16 : index
      %get3A_432 = tpu.vector_load %arg12[%get3A_430, %get3A_431] {strides = array<i32>} : memref<512x32xf32, #tpu.memory_space<vmem>>, vector<16xf32>,
      %get3A_433 = arith.index_cast %add3A_426 : i32 to index
      %get3A_434 = arith.constant 0 : index
      %get3A_435 = tpu.vector_load %arg13[%get3A_433, %get3A_434] {strides = array<i32>} : memref<512x32xf32, #tpu.memory_space<vmem>>, vector<16xf32>,
      %get3A_436 = arith.index_cast %add3A_426 : i32 to index
      %get3A_437 = arith.constant 16 : index
      %get3A_438 = tpu.vector_load %arg13[%get3A_436, %get3A_437] {strides = array<i32>} : memref<512x32xf32, #tpu.memory_space<vmem>>, vector<16xf32>,
      %mul3A_439 = arith.mulf %get3A_429, %get3A_435 : vector<16xf32>
      %mul3A_440 = arith.mulf %get3A_432, %get3A_438 : vector<16xf32>
      %add3A_441 = arith.addf %mul3A_439, %mul3A_440 : vector<16xf32>
      %reduce_sum3A_442 = arith.constant true
      %reduce_sum3A_443 = vector.broadcast %reduce_sum3A_442 : i1 to vector<16xi1>
      %reduce_sum3A_444 = tpu.scan <sum>, %add3A_441 masked %reduce_sum3A_443 : vector<16xf32>, vector<16xi1> -> vector<16xf32>
      %reduce_sum3A_445 = vector.extract %reduce_sum3A_444[15] : f32 from vector<16xf32>
      %eq3A_446 = arith.constant 8 : i32
      %eq3A_447 = vector.broadcast %eq3A_446 : i32 to vector<16xi32>
      %eq3A_448 = arith.cmpi eq, %iota3A, %eq3A_447 : vector<16xi32>
      %add3A_449 = vector.broadcast %reduce_sum3A_445 : f32 to vector<16xf32>
      %add3A_450 = arith.addf %select_n3A_422, %add3A_449 : vector<16xf32>
      %select_n3A_451 = arith.select %eq3A_448, %add3A_450, %select_n3A_422 : vector<16xi1>, vector<16xf32>
      %mul3A_452 = arith.constant 16 : i32
      %mul3A_453 = arith.muli %scan3A_185, %mul3A_452 : i32
      %add3A_454 = arith.constant 9 : i32
      %add3A_455 = arith.addi %mul3A_453, %add3A_454 : i32
      %get3A_456 = arith.index_cast %add3A_455 : i32 to index
      %get3A_457 = arith.constant 0 : index
      %get3A_458 = tpu.vector_load %arg12[%get3A_456, %get3A_457] {strides = array<i32>} : memref<512x32xf32, #tpu.memory_space<vmem>>, vector<16xf32>,
      %get3A_459 = arith.index_cast %add3A_455 : i32 to index
      %get3A_460 = arith.constant 16 : index
      %get3A_461 = tpu.vector_load %arg12[%get3A_459, %get3A_460] {strides = array<i32>} : memref<512x32xf32, #tpu.memory_space<vmem>>, vector<16xf32>,
      %get3A_462 = arith.index_cast %add3A_455 : i32 to index
      %get3A_463 = arith.constant 0 : index
      %get3A_464 = tpu.vector_load %arg13[%get3A_462, %get3A_463] {strides = array<i32>} : memref<512x32xf32, #tpu.memory_space<vmem>>, vector<16xf32>,
      %get3A_465 = arith.index_cast %add3A_455 : i32 to index
      %get3A_466 = arith.constant 16 : index
      %get3A_467 = tpu.vector_load %arg13[%get3A_465, %get3A_466] {strides = array<i32>} : memref<512x32xf32, #tpu.memory_space<vmem>>, vector<16xf32>,
      %mul3A_468 = arith.mulf %get3A_458, %get3A_464 : vector<16xf32>
      %mul3A_469 = arith.mulf %get3A_461, %get3A_467 : vector<16xf32>
      %add3A_470 = arith.addf %mul3A_468, %mul3A_469 : vector<16xf32>
      %reduce_sum3A_471 = arith.constant true
      %reduce_sum3A_472 = vector.broadcast %reduce_sum3A_471 : i1 to vector<16xi1>
      %reduce_sum3A_473 = tpu.scan <sum>, %add3A_470 masked %reduce_sum3A_472 : vector<16xf32>, vector<16xi1> -> vector<16xf32>
      %reduce_sum3A_474 = vector.extract %reduce_sum3A_473[15] : f32 from vector<16xf32>
      %eq3A_475 = arith.constant 9 : i32
      %eq3A_476 = vector.broadcast %eq3A_475 : i32 to vector<16xi32>
      %eq3A_477 = arith.cmpi eq, %iota3A, %eq3A_476 : vector<16xi32>
      %add3A_478 = vector.broadcast %reduce_sum3A_474 : f32 to vector<16xf32>
      %add3A_479 = arith.addf %select_n3A_451, %add3A_478 : vector<16xf32>
      %select_n3A_480 = arith.select %eq3A_477, %add3A_479, %select_n3A_451 : vector<16xi1>, vector<16xf32>
      %mul3A_481 = arith.constant 16 : i32
      %mul3A_482 = arith.muli %scan3A_185, %mul3A_481 : i32
      %add3A_483 = arith.constant 10 : i32
      %add3A_484 = arith.addi %mul3A_482, %add3A_483 : i32
      %get3A_485 = arith.index_cast %add3A_484 : i32 to index
      %get3A_486 = arith.constant 0 : index
      %get3A_487 = tpu.vector_load %arg12[%get3A_485, %get3A_486] {strides = array<i32>} : memref<512x32xf32, #tpu.memory_space<vmem>>, vector<16xf32>,
      %get3A_488 = arith.index_cast %add3A_484 : i32 to index
      %get3A_489 = arith.constant 16 : index
      %get3A_490 = tpu.vector_load %arg12[%get3A_488, %get3A_489] {strides = array<i32>} : memref<512x32xf32, #tpu.memory_space<vmem>>, vector<16xf32>,
      %get3A_491 = arith.index_cast %add3A_484 : i32 to index
      %get3A_492 = arith.constant 0 : index
      %get3A_493 = tpu.vector_load %arg13[%get3A_491, %get3A_492] {strides = array<i32>} : memref<512x32xf32, #tpu.memory_space<vmem>>, vector<16xf32>,
      %get3A_494 = arith.index_cast %add3A_484 : i32 to index
      %get3A_495 = arith.constant 16 : index
      %get3A_496 = tpu.vector_load %arg13[%get3A_494, %get3A_495] {strides = array<i32>} : memref<512x32xf32, #tpu.memory_space<vmem>>, vector<16xf32>,
      %mul3A_497 = arith.mulf %get3A_487, %get3A_493 : vector<16xf32>
      %mul3A_498 = arith.mulf %get3A_490, %get3A_496 : vector<16xf32>
      %add3A_499 = arith.addf %mul3A_497, %mul3A_498 : vector<16xf32>
      %reduce_sum3A_500 = arith.constant true
      %reduce_sum3A_501 = vector.broadcast %reduce_sum3A_500 : i1 to vector<16xi1>
      %reduce_sum3A_502 = tpu.scan <sum>, %add3A_499 masked %reduce_sum3A_501 : vector<16xf32>, vector<16xi1> -> vector<16xf32>
      %reduce_sum3A_503 = vector.extract %reduce_sum3A_502[15] : f32 from vector<16xf32>
      %eq3A_504 = arith.constant 10 : i32
      %eq3A_505 = vector.broadcast %eq3A_504 : i32 to vector<16xi32>
      %eq3A_506 = arith.cmpi eq, %iota3A, %eq3A_505 : vector<16xi32>
      %add3A_507 = vector.broadcast %reduce_sum3A_503 : f32 to vector<16xf32>
      %add3A_508 = arith.addf %select_n3A_480, %add3A_507 : vector<16xf32>
      %select_n3A_509 = arith.select %eq3A_506, %add3A_508, %select_n3A_480 : vector<16xi1>, vector<16xf32>
      %mul3A_510 = arith.constant 16 : i32
      %mul3A_511 = arith.muli %scan3A_185, %mul3A_510 : i32
      %add3A_512 = arith.constant 11 : i32
      %add3A_513 = arith.addi %mul3A_511, %add3A_512 : i32
      %get3A_514 = arith.index_cast %add3A_513 : i32 to index
      %get3A_515 = arith.constant 0 : index
      %get3A_516 = tpu.vector_load %arg12[%get3A_514, %get3A_515] {strides = array<i32>} : memref<512x32xf32, #tpu.memory_space<vmem>>, vector<16xf32>,
      %get3A_517 = arith.index_cast %add3A_513 : i32 to index
      %get3A_518 = arith.constant 16 : index
      %get3A_519 = tpu.vector_load %arg12[%get3A_517, %get3A_518] {strides = array<i32>} : memref<512x32xf32, #tpu.memory_space<vmem>>, vector<16xf32>,
      %get3A_520 = arith.index_cast %add3A_513 : i32 to index
      %get3A_521 = arith.constant 0 : index
      %get3A_522 = tpu.vector_load %arg13[%get3A_520, %get3A_521] {strides = array<i32>} : memref<512x32xf32, #tpu.memory_space<vmem>>, vector<16xf32>,
      %get3A_523 = arith.index_cast %add3A_513 : i32 to index
      %get3A_524 = arith.constant 16 : index
      %get3A_525 = tpu.vector_load %arg13[%get3A_523, %get3A_524] {strides = array<i32>} : memref<512x32xf32, #tpu.memory_space<vmem>>, vector<16xf32>,
      %mul3A_526 = arith.mulf %get3A_516, %get3A_522 : vector<16xf32>
      %mul3A_527 = arith.mulf %get3A_519, %get3A_525 : vector<16xf32>
      %add3A_528 = arith.addf %mul3A_526, %mul3A_527 : vector<16xf32>
      %reduce_sum3A_529 = arith.constant true
      %reduce_sum3A_530 = vector.broadcast %reduce_sum3A_529 : i1 to vector<16xi1>
      %reduce_sum3A_531 = tpu.scan <sum>, %add3A_528 masked %reduce_sum3A_530 : vector<16xf32>, vector<16xi1> -> vector<16xf32>
      %reduce_sum3A_532 = vector.extract %reduce_sum3A_531[15] : f32 from vector<16xf32>
      %eq3A_533 = arith.constant 11 : i32
      %eq3A_534 = vector.broadcast %eq3A_533 : i32 to vector<16xi32>
      %eq3A_535 = arith.cmpi eq, %iota3A, %eq3A_534 : vector<16xi32>
      %add3A_536 = vector.broadcast %reduce_sum3A_532 : f32 to vector<16xf32>
      %add3A_537 = arith.addf %select_n3A_509, %add3A_536 : vector<16xf32>
      %select_n3A_538 = arith.select %eq3A_535, %add3A_537, %select_n3A_509 : vector<16xi1>, vector<16xf32>
      %mul3A_539 = arith.constant 16 : i32
      %mul3A_540 = arith.muli %scan3A_185, %mul3A_539 : i32
      %add3A_541 = arith.constant 12 : i32
      %add3A_542 = arith.addi %mul3A_540, %add3A_541 : i32
      %get3A_543 = arith.index_cast %add3A_542 : i32 to index
      %get3A_544 = arith.constant 0 : index
      %get3A_545 = tpu.vector_load %arg12[%get3A_543, %get3A_544] {strides = array<i32>} : memref<512x32xf32, #tpu.memory_space<vmem>>, vector<16xf32>,
      %get3A_546 = arith.index_cast %add3A_542 : i32 to index
      %get3A_547 = arith.constant 16 : index
      %get3A_548 = tpu.vector_load %arg12[%get3A_546, %get3A_547] {strides = array<i32>} : memref<512x32xf32, #tpu.memory_space<vmem>>, vector<16xf32>,
      %get3A_549 = arith.index_cast %add3A_542 : i32 to index
      %get3A_550 = arith.constant 0 : index
      %get3A_551 = tpu.vector_load %arg13[%get3A_549, %get3A_550] {strides = array<i32>} : memref<512x32xf32, #tpu.memory_space<vmem>>, vector<16xf32>,
      %get3A_552 = arith.index_cast %add3A_542 : i32 to index
      %get3A_553 = arith.constant 16 : index
      %get3A_554 = tpu.vector_load %arg13[%get3A_552, %get3A_553] {strides = array<i32>} : memref<512x32xf32, #tpu.memory_space<vmem>>, vector<16xf32>,
      %mul3A_555 = arith.mulf %get3A_545, %get3A_551 : vector<16xf32>
      %mul3A_556 = arith.mulf %get3A_548, %get3A_554 : vector<16xf32>
      %add3A_557 = arith.addf %mul3A_555, %mul3A_556 : vector<16xf32>
      %reduce_sum3A_558 = arith.constant true
      %reduce_sum3A_559 = vector.broadcast %reduce_sum3A_558 : i1 to vector<16xi1>
      %reduce_sum3A_560 = tpu.scan <sum>, %add3A_557 masked %reduce_sum3A_559 : vector<16xf32>, vector<16xi1> -> vector<16xf32>
      %reduce_sum3A_561 = vector.extract %reduce_sum3A_560[15] : f32 from vector<16xf32>
      %eq3A_562 = arith.constant 12 : i32
      %eq3A_563 = vector.broadcast %eq3A_562 : i32 to vector<16xi32>
      %eq3A_564 = arith.cmpi eq, %iota3A, %eq3A_563 : vector<16xi32>
      %add3A_565 = vector.broadcast %reduce_sum3A_561 : f32 to vector<16xf32>
      %add3A_566 = arith.addf %select_n3A_538, %add3A_565 : vector<16xf32>
      %select_n3A_567 = arith.select %eq3A_564, %add3A_566, %select_n3A_538 : vector<16xi1>, vector<16xf32>
      %mul3A_568 = arith.constant 16 : i32
      %mul3A_569 = arith.muli %scan3A_185, %mul3A_568 : i32
      %add3A_570 = arith.constant 13 : i32
      %add3A_571 = arith.addi %mul3A_569, %add3A_570 : i32
      %get3A_572 = arith.index_cast %add3A_571 : i32 to index
      %get3A_573 = arith.constant 0 : index
      %get3A_574 = tpu.vector_load %arg12[%get3A_572, %get3A_573] {strides = array<i32>} : memref<512x32xf32, #tpu.memory_space<vmem>>, vector<16xf32>,
      %get3A_575 = arith.index_cast %add3A_571 : i32 to index
      %get3A_576 = arith.constant 16 : index
      %get3A_577 = tpu.vector_load %arg12[%get3A_575, %get3A_576] {strides = array<i32>} : memref<512x32xf32, #tpu.memory_space<vmem>>, vector<16xf32>,
      %get3A_578 = arith.index_cast %add3A_571 : i32 to index
      %get3A_579 = arith.constant 0 : index
      %get3A_580 = tpu.vector_load %arg13[%get3A_578, %get3A_579] {strides = array<i32>} : memref<512x32xf32, #tpu.memory_space<vmem>>, vector<16xf32>,
      %get3A_581 = arith.index_cast %add3A_571 : i32 to index
      %get3A_582 = arith.constant 16 : index
      %get3A_583 = tpu.vector_load %arg13[%get3A_581, %get3A_582] {strides = array<i32>} : memref<512x32xf32, #tpu.memory_space<vmem>>, vector<16xf32>,
      %mul3A_584 = arith.mulf %get3A_574, %get3A_580 : vector<16xf32>
      %mul3A_585 = arith.mulf %get3A_577, %get3A_583 : vector<16xf32>
      %add3A_586 = arith.addf %mul3A_584, %mul3A_585 : vector<16xf32>
      %reduce_sum3A_587 = arith.constant true
      %reduce_sum3A_588 = vector.broadcast %reduce_sum3A_587 : i1 to vector<16xi1>
      %reduce_sum3A_589 = tpu.scan <sum>, %add3A_586 masked %reduce_sum3A_588 : vector<16xf32>, vector<16xi1> -> vector<16xf32>
      %reduce_sum3A_590 = vector.extract %reduce_sum3A_589[15] : f32 from vector<16xf32>
      %eq3A_591 = arith.constant 13 : i32
      %eq3A_592 = vector.broadcast %eq3A_591 : i32 to vector<16xi32>
      %eq3A_593 = arith.cmpi eq, %iota3A, %eq3A_592 : vector<16xi32>
      %add3A_594 = vector.broadcast %reduce_sum3A_590 : f32 to vector<16xf32>
      %add3A_595 = arith.addf %select_n3A_567, %add3A_594 : vector<16xf32>
      %select_n3A_596 = arith.select %eq3A_593, %add3A_595, %select_n3A_567 : vector<16xi1>, vector<16xf32>
      %mul3A_597 = arith.constant 16 : i32
      %mul3A_598 = arith.muli %scan3A_185, %mul3A_597 : i32
      %add3A_599 = arith.constant 14 : i32
      %add3A_600 = arith.addi %mul3A_598, %add3A_599 : i32
      %get3A_601 = arith.index_cast %add3A_600 : i32 to index
      %get3A_602 = arith.constant 0 : index
      %get3A_603 = tpu.vector_load %arg12[%get3A_601, %get3A_602] {strides = array<i32>} : memref<512x32xf32, #tpu.memory_space<vmem>>, vector<16xf32>,
      %get3A_604 = arith.index_cast %add3A_600 : i32 to index
      %get3A_605 = arith.constant 16 : index
      %get3A_606 = tpu.vector_load %arg12[%get3A_604, %get3A_605] {strides = array<i32>} : memref<512x32xf32, #tpu.memory_space<vmem>>, vector<16xf32>,
      %get3A_607 = arith.index_cast %add3A_600 : i32 to index
      %get3A_608 = arith.constant 0 : index
      %get3A_609 = tpu.vector_load %arg13[%get3A_607, %get3A_608] {strides = array<i32>} : memref<512x32xf32, #tpu.memory_space<vmem>>, vector<16xf32>,
      %get3A_610 = arith.index_cast %add3A_600 : i32 to index
      %get3A_611 = arith.constant 16 : index
      %get3A_612 = tpu.vector_load %arg13[%get3A_610, %get3A_611] {strides = array<i32>} : memref<512x32xf32, #tpu.memory_space<vmem>>, vector<16xf32>,
      %mul3A_613 = arith.mulf %get3A_603, %get3A_609 : vector<16xf32>
      %mul3A_614 = arith.mulf %get3A_606, %get3A_612 : vector<16xf32>
      %add3A_615 = arith.addf %mul3A_613, %mul3A_614 : vector<16xf32>
      %reduce_sum3A_616 = arith.constant true
      %reduce_sum3A_617 = vector.broadcast %reduce_sum3A_616 : i1 to vector<16xi1>
      %reduce_sum3A_618 = tpu.scan <sum>, %add3A_615 masked %reduce_sum3A_617 : vector<16xf32>, vector<16xi1> -> vector<16xf32>
      %reduce_sum3A_619 = vector.extract %reduce_sum3A_618[15] : f32 from vector<16xf32>
      %eq3A_620 = arith.constant 14 : i32
      %eq3A_621 = vector.broadcast %eq3A_620 : i32 to vector<16xi32>
      %eq3A_622 = arith.cmpi eq, %iota3A, %eq3A_621 : vector<16xi32>
      %add3A_623 = vector.broadcast %reduce_sum3A_619 : f32 to vector<16xf32>
      %add3A_624 = arith.addf %select_n3A_596, %add3A_623 : vector<16xf32>
      %select_n3A_625 = arith.select %eq3A_622, %add3A_624, %select_n3A_596 : vector<16xi1>, vector<16xf32>
      %mul3A_626 = arith.constant 16 : i32
      %mul3A_627 = arith.muli %scan3A_185, %mul3A_626 : i32
      %add3A_628 = arith.constant 15 : i32
      %add3A_629 = arith.addi %mul3A_627, %add3A_628 : i32
      %get3A_630 = arith.index_cast %add3A_629 : i32 to index
      %get3A_631 = arith.constant 0 : index
      %get3A_632 = tpu.vector_load %arg12[%get3A_630, %get3A_631] {strides = array<i32>} : memref<512x32xf32, #tpu.memory_space<vmem>>, vector<16xf32>,
      %get3A_633 = arith.index_cast %add3A_629 : i32 to index
      %get3A_634 = arith.constant 16 : index
      %get3A_635 = tpu.vector_load %arg12[%get3A_633, %get3A_634] {strides = array<i32>} : memref<512x32xf32, #tpu.memory_space<vmem>>, vector<16xf32>,
      %get3A_636 = arith.index_cast %add3A_629 : i32 to index
      %get3A_637 = arith.constant 0 : index
      %get3A_638 = tpu.vector_load %arg13[%get3A_636, %get3A_637] {strides = array<i32>} : memref<512x32xf32, #tpu.memory_space<vmem>>, vector<16xf32>,
      %get3A_639 = arith.index_cast %add3A_629 : i32 to index
      %get3A_640 = arith.constant 16 : index
      %get3A_641 = tpu.vector_load %arg13[%get3A_639, %get3A_640] {strides = array<i32>} : memref<512x32xf32, #tpu.memory_space<vmem>>, vector<16xf32>,
      %mul3A_642 = arith.mulf %get3A_632, %get3A_638 : vector<16xf32>
      %mul3A_643 = arith.mulf %get3A_635, %get3A_641 : vector<16xf32>
      %add3A_644 = arith.addf %mul3A_642, %mul3A_643 : vector<16xf32>
      %reduce_sum3A_645 = arith.constant true
      %reduce_sum3A_646 = vector.broadcast %reduce_sum3A_645 : i1 to vector<16xi1>
      %reduce_sum3A_647 = tpu.scan <sum>, %add3A_644 masked %reduce_sum3A_646 : vector<16xf32>, vector<16xi1> -> vector<16xf32>
      %reduce_sum3A_648 = vector.extract %reduce_sum3A_647[15] : f32 from vector<16xf32>
      %eq3A_649 = arith.constant 15 : i32
      %eq3A_650 = vector.broadcast %eq3A_649 : i32 to vector<16xi32>
      %eq3A_651 = arith.cmpi eq, %iota3A, %eq3A_650 : vector<16xi32>
      %add3A_652 = vector.broadcast %reduce_sum3A_648 : f32 to vector<16xf32>
      %add3A_653 = arith.addf %select_n3A_625, %add3A_652 : vector<16xf32>
      %select_n3A_654 = arith.select %eq3A_651, %add3A_653, %select_n3A_625 : vector<16xi1>, vector<16xf32>
      %swap3A = arith.index_cast %mul3A_187 : i32 to index
      %swap3A_655 = tpu.vector_load %arg16[%swap3A] {strides = array<i32>} : memref<512xf32, #tpu.memory_space<vmem>>, vector<16xf32>,
      tpu.vector_store %arg16[%swap3A], %select_n3A_654 {strides = array<i32>} : memref<512xf32, #tpu.memory_space<vmem>>, vector<16xf32>,
    }
    %scan3A_184 = arith.constant 32 : i32
    "tpu.region"() ({
      %run_scoped3A_185 = tpu.sem_alloc : memref<!tpu.dma_semaphore, #tpu.memory_space<semaphore_mem>>
      %dma_start3A_186 = tpu.memref_slice %arg9[%mul3A_2] : memref<16384xf32, #tpu.memory_space<hbm>> -> memref<512xf32, #tpu.memory_space<hbm>>
      %dma_start3A_187 = tpu.memref_slice %arg9[%mul3A_2] : memref<16384xf32, #tpu.memory_space<hbm>> -> memref<512xf32, #tpu.memory_space<hbm>>
      tpu.enqueue_dma source(%arg16 : memref<512xf32, #tpu.memory_space<vmem>>) target(%dma_start3A_187 : memref<512xf32, #tpu.memory_space<hbm>>) target_semaphore(%run_scoped3A_185 : memref<!tpu.dma_semaphore, #tpu.memory_space<semaphore_mem>>)
      %dma_wait3A_188 = tpu.memref_slice %arg9[%mul3A_2] : memref<16384xf32, #tpu.memory_space<hbm>> -> memref<512xf32, #tpu.memory_space<hbm>>
      %dma_wait3A_189 = tpu.memref_slice %arg9[%mul3A_2] : memref<16384xf32, #tpu.memory_space<hbm>> -> memref<512xf32, #tpu.memory_space<hbm>>
      tpu.wait_dma2 semaphore(%run_scoped3A_185 : memref<!tpu.dma_semaphore, #tpu.memory_space<semaphore_mem>>) src(%arg16 : memref<512xf32, #tpu.memory_space<vmem>>) dst(%dma_wait3A_189 : memref<512xf32, #tpu.memory_space<hbm>>)
      tpu.yield
    }) : () -> ()
    return
  }
}

</mosaic_0001>

<sc_bundles>
// kernel: kernel.3.cloned.1.call-start
scs
__scs_entry_jumppad:
0x0: {  	(pc) =	sbr.rel $0x88, $3  }
0x1: {  	(tag) =	ssettag $0x0;
	lr =	simm.s32 $0x1  }
0x2: {  	[smem:$0x3F9A] =	sst lr;
	_ =	strace $0xD0000000  }
0x3: {  	_ = 	snop  }
0x4: {  	_ = 	snop  }
0x5: {  	_ = 	snop  }
0x6: {  	_ = 	snop  }
0x7: {  	_ = 	snop  }
__scs_overlays_trampoline_lowered:
0x8: {  	[smem:$0x3FA9] =	sst s0  }
0x9: {  	[smem:$0x3FAA] =	sst s1  }
0xa: {  	[smem:$0x3FAB] =	sst s2  }
0xb: {  	[smem:$0x3FAC] =	sst s3  }
0xc: {  	[smem:$0x3FAD] =	sst s4  }
0xd: {  	[smem:$0x3FAE] =	sst s5  }
0xe: {  	[smem:$0x3FAF] =	sst s6  }
0xf: {  	[smem:$0x3FB0] =	sst s7  }
0x10: {  	[smem:$0x3FB1] =	sst s8  }
0x11: {  	[smem:$0x3FB2] =	sst s9;
	s0 =	simm.s32 @!p0 $0x0  }
0x12: {  	s1 =	sld [smem:$0x3F98];
	s0 =	simm.s32 @p0 $0x1  }
0x13: {  	[smem:$0x3FB3] =	sst s0;
	s0 =	simm.s32 @!p1 $0x0  }
0x14: {  	s2 =	sld [smem:$0x3F97];
	s0 =	simm.s32 @p1 $0x1  }
0x15: {  	[smem:$0x3FB4] =	sst s0;
	s0 =	simm.s32 @!p2 $0x0  }
0x16: {  	s3 =	sld [smem:$0x3FDB];
	s0 =	simm.s32 @p2 $0x1  }
0x17: {  	s4 =	simm.s32 $0x1BF5;
	[smem:$0x3FB6] =	sst s0  }
0x18: {  	s0 =	sld [smem:$0x3F99];
	_ =	swait.ge [sflag:s4], $0x0  }
0x19: {  	s7 =	sld [smem:$0x3F9A]  }
0x1a: {  	s8 =	sadd.s32 $0xFFFFE003, lr  }
0x1b: {  	s9 =	sadd.s32 $0xFFFFFEF7, lr;
	s5 =	simm.s32 $0xFFFFFFFF;
	p2 =	slt.u32 s8, $0xFFFFF086  }
0x1c: {  	p1 =	slt.u32 s9, $0xF7A;
	s5 =	simm.s32 @!p2 $0x0  }
0x1d: {  	s5 =	simm.s32 @p1 $0x1;
	p0 =	seq.s32 s7, s2  }
0x1e: {  	s7 =	smul.u32 @!p0 $0xF7A, s2;
	p2 =	seq.s32 @!p0 s5, $0x0  }
0x1f: {  	s9 =	smul.u32 $0xF7A, s1;
	s8 =	simm.s32 @!p0 $0x1BF5;
	p2 =	por !p2, p0  }
0x20: {  	[sflag:s8] =	ssyncset.s32 @!p0 $0xFFFFF086;
	s6 =	sadd.s32 @!p0 s3, s7;
	s7 =	simm.s32 @!p0 $0x108  }
0x21: {  	s3 =	sadd.s32 s3, s9;
	s6 =	sadd.s32 @!p0 $0x88, s6;
	s7 =	simm.s32 @p2 $0x1082  }
0x22: {  	[simem:s7], [sflag:s8] =	dma.local @!p0 [hbm:s6], $0xF7A  }
0x23: {  	s9 =	sor.u32 $0xD0000000, s2;
	s6 =	simm.s32 $0x108;
	_ =	swait.ge @!p0 [sflag:s8], $0x0  }
0x24: {  	s3 =	sadd.s32 $0x88, s3;
	s6 =	simm.s32 @!p1 $0x1082;
	[sflag:s4] =	ssyncset.s32 $0xFFFFF086  }
0x25: {  	[simem:s6], [sflag:s4] =	dma.local [hbm:s3], $0xF7A  }
0x26: {  	[smem:$0x3F9A] =	sst s1;
	(tag) =	ssettag s2;
	_ =	strace s9  }
0x27: {  	s1 =	sld [smem:$0x3FAA]  }
0x28: {  	s2 =	sld [smem:$0x3FAB]  }
0x29: {  	s4 =	sld [smem:$0x3FAD]  }
0x2a: {  	p0 =	seq.s32 s5, $0x0;
	s5 =	sld [smem:$0x3FAE]  }
0x2b: {  	s6 =	sld [smem:$0x3FAF]  }
0x2c: {  	s7 =	sld [smem:$0x3FB0]  }
0x2d: {  	s3 =	simm.s32 $0x108;
	s8 =	sld [smem:$0x3FB1]  }
0x2e: {  	s3 =	simm.s32 @!p0 $0x1082;
	s9 =	sld [smem:$0x3FB2]  }
0x2f: {  	lr =	sadd.s32 s0, s3;
	s0 =	sld [smem:$0x3FA9]  }
0x30: {  	s3 =	sld [smem:$0x3FAC]  }
0x31: {  	[smem:$0x3FB5] =	sst s10  }
0x32: {  	s10 =	sld [smem:$0x3FB3];
	_ =	sdelay $0x3  }
0x33: {  	p0 =	seq.s32 s10, $0x1;
	s10 =	sld [smem:$0x3FB5];
	_ =	sdelay $0x3  }
0x34: {  	[smem:$0x3FB5] =	sst s10  }
0x35: {  	s10 =	sld [smem:$0x3FB4];
	_ =	sdelay $0x3  }
0x36: {  	p1 =	seq.s32 s10, $0x1;
	s10 =	sld [smem:$0x3FB5];
	_ =	sdelay $0x3  }
0x37: {  	[smem:$0x3FB5] =	sst s10  }
0x38: {  	s10 =	sld [smem:$0x3FB6]  }
0x39: {  	_ = 	snop;
	(pc) =	sbr.ind lr, $3  }
0x3a: {  	_ = 	snop  }
0x3b: {  	_ = 	snop  }
0x3c: {  	p2 =	seq.s32 s10, $0x1;
	s10 =	sld [smem:$0x3FB5]  }
0x3d: {  	_ =	shalt  }
0x3e: {  	_ =	shalt  }
0x3f: {  	_ =	shalt  }
0x40: {  	_ =	shalt  }
0x41: {  	_ =	shalt  }
0x42: {  	_ =	shalt  }
0x43: {  	_ =	shalt  }
0x44: {  	_ =	shalt  }
0x45: {  	_ =	shalt  }
0x46: {  	_ =	shalt  }
0x47: {  	_ =	shalt  }
0x48: {  	_ =	shalt  }
0x49: {  	_ =	shalt  }
0x4a: {  	_ =	shalt  }
0x4b: {  	_ =	shalt  }
0x4c: {  	_ =	shalt  }
0x4d: {  	_ =	shalt  }
0x4e: {  	_ =	shalt  }
0x4f: {  	_ =	shalt  }
0x50: {  	_ =	shalt  }
0x51: {  	_ =	shalt  }
0x52: {  	_ =	shalt  }
0x53: {  	_ =	shalt  }
0x54: {  	_ =	shalt  }
0x55: {  	_ =	shalt  }
0x56: {  	_ =	shalt  }
0x57: {  	_ =	shalt  }
0x58: {  	_ =	shalt  }
0x59: {  	_ =	shalt  }
0x5a: {  	_ =	shalt  }
0x5b: {  	_ =	shalt  }
0x5c: {  	_ =	shalt  }
0x5d: {  	_ =	shalt  }
0x5e: {  	_ =	shalt  }
0x5f: {  	_ =	shalt  }
0x60: {  	_ =	shalt  }
0x61: {  	_ =	shalt  }
0x62: {  	_ =	shalt  }
0x63: {  	_ =	shalt  }
0x64: {  	_ =	shalt  }
0x65: {  	_ =	shalt  }
0x66: {  	_ =	shalt  }
0x67: {  	_ =	shalt  }
0x68: {  	_ =	shalt  }
0x69: {  	_ =	shalt  }
0x6a: {  	_ =	shalt  }
0x6b: {  	_ =	shalt  }
0x6c: {  	_ =	shalt  }
0x6d: {  	_ =	shalt  }
0x6e: {  	_ =	shalt  }
0x6f: {  	_ =	shalt  }
0x70: {  	_ =	shalt  }
0x71: {  	_ =	shalt  }
0x72: {  	_ =	shalt  }
0x73: {  	_ =	shalt  }
0x74: {  	_ =	shalt  }
0x75: {  	_ =	shalt  }
0x76: {  	_ =	shalt  }
0x77: {  	_ =	shalt  }
0x78: {  	_ =	shalt  }
0x79: {  	_ =	shalt  }
0x7a: {  	_ =	shalt  }
0x7b: {  	_ =	shalt  }
0x7c: {  	_ =	shalt  }
0x7d: {  	_ =	shalt  }
0x7e: {  	_ =	shalt  }
0x7f: {  	_ =	shalt  }
0x80: {  	_ =	shalt  }
0x81: {  	_ =	shalt  }
0x82: {  	_ =	shalt  }
0x83: {  	_ =	shalt  }
0x84: {  	_ =	shalt  }
0x85: {  	_ =	shalt  }
0x86: {  	_ =	shalt  }
0x87: {  	_ =	shalt  }
.Lfunc_end0:
.L_simem_size_0:
called_computation_lowered:
.L_overlay_start_0:
0x88: {  	s2 =	sld [smem:$0x3FD9]  }
0x89: {  	s3 =	sld [smem:$0x3FFE];
	_ =	sdelay $0x1  }
0x8a: {  	s1 =	srdreg.scid  }
0x8b: {  	s0 =	sand.u32 $0x1, s1  }
0x8c: {  	s17 =	sshll.u32 s0, $0xA;
	s2 =	sadd.s32 s3, s2  }
0x8d: {  	s2 =	sadd.s32 s2, s17  }
0x8e: {  	[smem:$0x3FC1] =	sst s2  }
0x8f: {  	_ = 	snop  }
0x90: {  	s2 =	sld [smem:$0x3FC9]  }
0x91: {  	s18 =	sld [smem:$0x3FC8]  }
0x92: {  	s4 =	sld [smem:$0x3FD0];
	(tm) =	ssettm $0x1  }
0x93: {  	s5 =	sld [smem:$0x3FFB];
	_ =	sdelay $0x3  }
0x94: {  	_ =	strace s5  }
0x95: {  	s5 =	sld [smem:$0x3FFC];
	_ =	sdelay $0x3  }
0x96: {  	_ =	strace s5  }
0x97: {  	s5 =	sld [smem:$0x3FFD];
	_ =	sdelay $0x3  }
0x98: {  	_ =	strace s5  }
0x99: {  	_ =	strace $0x8FFFFFFF  }
0x9a: {  	s19 =	sld [smem:$0x3FDB];
	_ =	sdelay $0x1  }
0x9b: {  	s6 =	simm.s32 $_scs_section_size  }
0x9c: {  	s7 =	simm.s32 $_size__tile_overlayer_lowered;
	s8 =	simm.s32 $_tile_overlayer_lowered  }
0x9d: {  	s22 =	simm.s32 $0x1BFF;
	s21 =	sshll.u32 s8, $0x1;
	s5 =	sadd.s32 s6, s19  }
0x9e: {  	s9 =	simm.s32 $0x0;
	s20 =	sshll.u32 s7, $0x1;
	s7 =	sadd.s32 s21, s5  }
0x9f: {  	[timem:s9], [sflag:s22] =	dma.local [hbm:s7], s20  }
0xa0: {  	_ =	swait.ge [sflag:s22], s20  }
0xa1: {  	s6 =	ssub.s32 $0x0, s20;
	[sflag:s22] =	ssyncset.done $0x0  }
0xa2: {  	[sflag:s22] =	ssyncadd.s32 s6;
	_ =	sdelay $0x1  }
0xa3: {  	s23 =	simm.s32 $0x1B8B  }
0xa4: {  	_ =	swait.ge [sflag:s23], $0x1  }
0xa5: {  	[sflag:s23] =	ssyncset.done $0x0  }
0xa6: {  	s25 =	simm.s32 $0x1B8E;
	s24 =	sld [smem:$0x3FFE];
	[sflag:s23] =	ssyncadd.s32 $0xFFFFFFFF  }
0xa7: {  	s26 =	simm.s32 $execute0_lowered;
	[smem:$0x3FD2] =	sst s25  }
0xa8: {  	s7 =	sshll.u32 s26, $0x1;
	_ =	strace $0x80000046;
	[dreg:$0x1] =	wrdreg $0xFFFFFFFF  }
0xa9: {  	s28 =	simm.s32 $_size_execute0_lowered;
	s5 =	sadd.s32 s5, s7;
	[dreg:$0x0] =	wrdreg $0x0  }
0xaa: {  	s7 =	sshll.u32 s28, $0x1;
	[dreg:$0x2] =	wrdreg s5  }
0xab: {  	[dreg:$0x3] =	wrdreg s7  }
0xac: {  	[dreg:$0x4] =	wrdreg $0xC0  }
0xad: {  	_ =	task [dreg:s9], $0x5FFFF  }
0xae: {  	[dreg:$0x1] =	wrdreg $0xFFFFFFFF  }
0xaf: {  	[dreg:$0x0] =	wrdreg $0x60  }
0xb0: {  	[dreg:$0x2] =	wrdreg s2  }
0xb1: {  	[dreg:$0x3] =	wrdreg s18  }
0xb2: {  	[dreg:$0x4] =	wrdreg s24  }
0xb3: {  	[dreg:$0x5] =	wrdreg s4  }
0xb4: {  	[dreg:$0x6] =	wrdreg $0x9  }
0xb5: {  	_ =	task.clear_ibuf [dreg:s9], $0x7FFFF;
	_ =	strace $0x90000046  }
0xb6: {  	s29 =	simm.s32 $0x9;
	_ =	strace $0x80000048  }
0xb7: {  	_ =	swait.ge [sflag:s29], $0x1  }
0xb8: {  	[sflag:s29] =	ssyncadd.s32 $0xFFFFFFFF  }
0xb9: {  	_ =	strace $0x90000048  }
0xba: {  	_ =	sfence  }
0xbb: {  	s30 =	sld [smem:$0x0];
	_ =	sdelay $0x2  }
0xbc: {  	s31 =	sshll.u32 s1, $0xD;
	s1 =	sshrl.u32 s1, $0x2  }
0xbd: {  	s3 =	sand.u32 $0x4000, s31;
	s1 =	sadd.s32 s1, s30  }
0xbe: {  	s0 =	sor.u32 s3, s0;
	s1 =	sshll.u32 s1, $0x11  }
0xbf: {  	s0 =	sor.u32 s1, s0  }
0xc0: {  	s0 =	sadd.s32 $0x8F2B, s0  }
0xc1: {  	[sflag:s0] =	ssyncadd.remote.s32 $0x1  }
0xc2: {  	_ =	sfence.sel $0xFFFF  }
0xc3: {  	[dreg:$0x0] =	wrdreg $0xFFFFFFFF;
	(pc) =	sbr.abs _section_cstart, $3  }
0xc4: {  	[dreg:$0x1] =	wrdreg $0xFFFFFFFF  }
0xc5: {  	_ =	task.clear_ibuf [dreg:s9], $0x2FFFF;
	_ =	strace $0x9FFFFFFF  }
0xc6: {  	(tm) =	ssettm $0x7FFFFFFF  }
0xc7: {  	_ =	shalt  }
tec
execute0_lowered:
.L_overlay_start_1:
0x0: {  	(tag) =	ssettag $0x1  }
0x1: {  	s0 =	rddreg [dreg:$0x0]  }
0x2: {  	s3 =	rddreg [dreg:$0x1]  }
0x3: {  	s1 =	rddreg [dreg:$0x2]  }
0x4: {  	s16 =	rddreg [dreg:$0x3]  }
0x5: {  	s2 =	simm.s32 $0x0;
	s7 =	srdreg.scid;
	s9 =	stileid.u32  }
0x6: {  	s19 =	simm.s32 $0x2;
	s20 =	simm.s32 $0x200;
	s21 =	simm.s32 $0x80  }
0x7: {  	s22 =	simm.s32 $0x280;
	s23 =	simm.s32 $0x100;
	s24 =	simm.s32 $0x300  }
0x8: {  	s25 =	simm.s32 $0x180;
	s26 =	simm.s32 $0x380;
	s30 =	simm.s32 $0x1  }
0x9: {  	[smem:$0x7FF] =	sst s2;
	s4 =	sadd.s32 $0x3D400, s1;
	s5 =	sadd.s32 $0x1EA00, s1  }
0xa: {  	vm0 =	vmmov $0x1;
	s6 =	sadd.s32 $0x1312E00, s1;
	s7 =	sand.u32 $0x1, s7;
	s9 =	sshll.u32 s9, $0x7  }
0xb: {  	vm1 =	vcmask $0x30C;
	vm2 =	vcmask $0xF0C;
	vm3 =	vcmask $0x714;
	_ =	strace $0x80000047;
	s8 =	ssub.s32 $0x2, s7;
	s10 =	sshll.u32 s7, $0x6  }
0xc: {  	vm4 =	vcmask $0xF18;
	vm5 =	vcmask $0x131C;
	vm6 =	vcmask $0x1F1C;
	s7 =	sadd.s32 $0xF42400, s1;
	s11 =	sshrl.u32 s8, $0x1;
	s17 =	sor.u32 s10, s9  }
0xd: {  	vm7 =	vcmask $0x1724;
	vm8 =	vcmask $0x1F28;
	vm9 =	vcmask $0x232C;
	s18 =	ssub.s32 s8, s11;
	s8 =	sadd.s32 s0, s17;
	s31 =	sor.u32 $0x10, s17  }
0xe: {  	vm10 =	vcmask $0x2F2C;
	vm11 =	vcmask $0x2734;
	vm12 =	vcmask $0x2F38;
	s9 =	sadd.s32 s3, s17;
	s13 =	sor.u32 $0x20, s17;
	s15 =	sor.u32 $0x30, s17  }
0xf: {  	vm13 =	vcmask $0x333C;
	vm14 =	vmmov $0x3fff;
	vm15 =	vmmov $0x7fff;
	s16 =	sadd.s32 s16, s17;
	s10 =	sadd.s32 s0, s31;
	s11 =	sadd.s32 s3, s31  }
0x10: {  	vm2 =	vmor vm3, vm2;
	vm3 =	vcmask $0xB14;
	vm6 =	vmor vm7, vm6;
	s12 =	sadd.s32 s0, s13;
	s13 =	sadd.s32 s3, s13;
	s14 =	sadd.s32 s0, s15  }
0x11: {  	vm7 =	vcmask $0x1B24;
	vm10 =	vmor vm11, vm10;
	vm11 =	vcmask $0x2B34;
	s15 =	sadd.s32 s3, s15;
	s17 =	smax.u32 s18, $0x1;
	s0 =	simm.s32 $0x0  }
.LBB2_1:
0x12: {  	s3 =	simm.s32 $0x8A00  }
0x13: {  	[tilespmem:s3], [sflag:$0x2] =	stream.linear.gather [hbm4b:s4+s2], $0x10, $0x38;
	[tilespmem:$0x8A10] =	vst v63  }
0x14: {  	_ =	swait.ge [sflag:s19], $0x10  }
0x15: {  	[sflag:s19] =	ssyncset.done $0x0  }
0x16: {  	[sflag:s19] =	ssyncadd.s32 $0xFFFFFFF0  }
0x17: {  	[tilespmem:s2], [sflag:$0x2] =	stream.linear.gather [hbm4b:s8+s2], $0x80, $0x38;
	[tilespmem:$0x8A10] =	vst v63  }
0x18: {  	_ =	swait.ge [sflag:s19], $0x80  }
0x19: {  	[sflag:s19] =	ssyncset.done $0x0  }
0x1a: {  	[sflag:s19] =	ssyncadd.s32 $0xFFFFFF80  }
0x1b: {  	[tilespmem:s20], [sflag:$0x2] =	stream.linear.gather [hbm4b:s9+s2], $0x80, $0x38;
	[tilespmem:$0x8A10] =	vst v63  }
0x1c: {  	_ =	swait.ge [sflag:s19], $0x80  }
0x1d: {  	[sflag:s19] =	ssyncset.done $0x0  }
0x1e: {  	[sflag:s19] =	ssyncadd.s32 $0xFFFFFF80  }
0x1f: {  	[tilespmem:s21], [sflag:$0x2] =	stream.linear.gather [hbm4b:s10+s2], $0x80, $0x38;
	[tilespmem:$0x8A10] =	vst v63  }
0x20: {  	_ =	swait.ge [sflag:s19], $0x80  }
0x21: {  	[sflag:s19] =	ssyncset.done $0x0  }
0x22: {  	[sflag:s19] =	ssyncadd.s32 $0xFFFFFF80  }
0x23: {  	[tilespmem:s22], [sflag:$0x2] =	stream.linear.gather [hbm4b:s11+s2], $0x80, $0x38;
	[tilespmem:$0x8A10] =	vst v63  }
0x24: {  	_ =	swait.ge [sflag:s19], $0x80  }
0x25: {  	[sflag:s19] =	ssyncset.done $0x0  }
0x26: {  	[sflag:s19] =	ssyncadd.s32 $0xFFFFFF80  }
0x27: {  	[tilespmem:s23], [sflag:$0x2] =	stream.linear.gather [hbm4b:s12+s2], $0x80, $0x38;
	[tilespmem:$0x8A10] =	vst v63  }
0x28: {  	_ =	swait.ge [sflag:s19], $0x80  }
0x29: {  	[sflag:s19] =	ssyncset.done $0x0  }
0x2a: {  	[sflag:s19] =	ssyncadd.s32 $0xFFFFFF80  }
0x2b: {  	[tilespmem:s24], [sflag:$0x2] =	stream.linear.gather [hbm4b:s13+s2], $0x80, $0x38;
	[tilespmem:$0x8A10] =	vst v63  }
0x2c: {  	_ =	swait.ge [sflag:s19], $0x80  }
0x2d: {  	[sflag:s19] =	ssyncset.done $0x0  }
0x2e: {  	[sflag:s19] =	ssyncadd.s32 $0xFFFFFF80  }
0x2f: {  	[tilespmem:s25], [sflag:$0x2] =	stream.linear.gather [hbm4b:s14+s2], $0x80, $0x38;
	[tilespmem:$0x8A10] =	vst v63  }
0x30: {  	_ =	swait.ge [sflag:s19], $0x80  }
0x31: {  	[sflag:s19] =	ssyncset.done $0x0  }
0x32: {  	[sflag:s19] =	ssyncadd.s32 $0xFFFFFF80  }
0x33: {  	[tilespmem:s26], [sflag:$0x2] =	stream.linear.gather [hbm4b:s15+s2], $0x80, $0x38;
	[tilespmem:$0x8A10] =	vst v63  }
0x34: {  	_ =	swait.ge [sflag:s19], $0x80  }
0x35: {  	[sflag:s19] =	ssyncset.done $0x0  }
0x36: {  	s18 =	simm.s32 $0x8400;
	[sflag:s19] =	ssyncadd.s32 $0xFFFFFF80  }
0x37: {  	[tilespmem:s18], [sflag:$0x1] =	stream.indirect.gather [hbm4b:s5+s21], $0x1, s2, s21, $0xb8;
	[tilespmem:$0x8A10] =	vst v63  }
0x38: {  	s31 =	simm.s32 $0x8600  }
0x39: {  	[tilespmem:s31], [sflag:$0x1] =	stream.indirect.gather [hbm4b:s1+s21], $0x1, s20, s21, $0xb8;
	[tilespmem:$0x8A10] =	vst v63  }
0x3a: {  	s18 =	simm.s32 $0x400  }
0x3b: {  	[tilespmem:s18], [sflag:$0x1] =	stream.indirect.gather [hbm4b:s6+s21], $0x20, s2, s21, $0xb8;
	[tilespmem:$0x8A10] =	vst v63  }
0x3c: {  	s31 =	simm.s32 $0x4400  }
0x3d: {  	[tilespmem:s31], [sflag:$0x1] =	stream.indirect.gather [hbm4b:s7+s21], $0x20, s20, s21, $0xb8;
	[tilespmem:$0x8A10] =	vst v63  }
0x3e: {  	s18 =	simm.s32 $0x8480  }
0x3f: {  	[tilespmem:s18], [sflag:$0x1] =	stream.indirect.gather [hbm4b:s5+s21], $0x1, s21, s21, $0xb8;
	[tilespmem:$0x8A10] =	vst v63  }
0x40: {  	s31 =	simm.s32 $0x8680  }
0x41: {  	[tilespmem:s31], [sflag:$0x1] =	stream.indirect.gather [hbm4b:s1+s21], $0x1, s22, s21, $0xb8;
	[tilespmem:$0x8A10] =	vst v63  }
0x42: {  	s18 =	simm.s32 $0x1400  }
0x43: {  	[tilespmem:s18], [sflag:$0x1] =	stream.indirect.gather [hbm4b:s6+s21], $0x20, s21, s21, $0xb8;
	[tilespmem:$0x8A10] =	vst v63  }
0x44: {  	s31 =	simm.s32 $0x5400  }
0x45: {  	[tilespmem:s31], [sflag:$0x1] =	stream.indirect.gather [hbm4b:s7+s21], $0x20, s22, s21, $0xb8;
	[tilespmem:$0x8A10] =	vst v63  }
0x46: {  	s18 =	simm.s32 $0x8500  }
0x47: {  	[tilespmem:s18], [sflag:$0x1] =	stream.indirect.gather [hbm4b:s5+s21], $0x1, s23, s21, $0xb8;
	[tilespmem:$0x8A10] =	vst v63  }
0x48: {  	s31 =	simm.s32 $0x8700  }
0x49: {  	[tilespmem:s31], [sflag:$0x1] =	stream.indirect.gather [hbm4b:s1+s21], $0x1, s24, s21, $0xb8;
	[tilespmem:$0x8A10] =	vst v63  }
0x4a: {  	s18 =	simm.s32 $0x2400  }
0x4b: {  	[tilespmem:s18], [sflag:$0x1] =	stream.indirect.gather [hbm4b:s6+s21], $0x20, s23, s21, $0xb8;
	[tilespmem:$0x8A10] =	vst v63  }
0x4c: {  	s31 =	simm.s32 $0x6400  }
0x4d: {  	[tilespmem:s31], [sflag:$0x1] =	stream.indirect.gather [hbm4b:s7+s21], $0x20, s24, s21, $0xb8;
	[tilespmem:$0x8A10] =	vst v63  }
0x4e: {  	s18 =	simm.s32 $0x8580  }
0x4f: {  	[tilespmem:s18], [sflag:$0x1] =	stream.indirect.gather [hbm4b:s5+s21], $0x1, s25, s21, $0xb8;
	[tilespmem:$0x8A10] =	vst v63  }
0x50: {  	s31 =	simm.s32 $0x8780  }
0x51: {  	[tilespmem:s31], [sflag:$0x1] =	stream.indirect.gather [hbm4b:s1+s21], $0x1, s26, s21, $0xb8;
	[tilespmem:$0x8A10] =	vst v63  }
0x52: {  	s18 =	simm.s32 $0x3400  }
0x53: {  	[tilespmem:s18], [sflag:$0x1] =	stream.indirect.gather [hbm4b:s6+s21], $0x20, s25, s21, $0xb8;
	[tilespmem:$0x8A10] =	vst v63  }
0x54: {  	s31 =	simm.s32 $0x7400  }
0x55: {  	[tilespmem:s31], [sflag:$0x1] =	stream.indirect.gather [hbm4b:s7+s21], $0x20, s26, s21, $0xb8;
	[tilespmem:$0x8A10] =	vst v63  }
0x56: {  	_ =	swait.ge [sflag:s30], $0x200  }
0x57: {  	[sflag:s30] =	ssyncset.done $0x0  }
0x58: {  	[sflag:s30] =	ssyncadd.s32 $0xFFFFFE00  }
0x59: {  	_ =	swait.ge [sflag:s30], $0x200  }
0x5a: {  	[sflag:s30] =	ssyncset.done $0x0  }
0x5b: {  	[sflag:s30] =	ssyncadd.s32 $0xFFFFFE00  }
0x5c: {  	_ =	swait.ge [sflag:s30], $0x4000  }
0x5d: {  	[sflag:s30] =	ssyncset.done $0x0  }
0x5e: {  	[sflag:s30] =	ssyncadd.s32 $0xFFFFC000  }
0x5f: {  	_ =	swait.ge [sflag:s30], $0x4000  }
0x60: {  	[sflag:s30] =	ssyncset.done $0x0  }
0x61: {  	[sflag:s30] =	ssyncadd.s32 $0xFFFFC000  }
0x62: {  	s3 =	simm.s32 $0x4500;
	v0 =	vld [tilespmem:$0x8A00]  }
0x63: {  	v3 =	vld [tilespmem:s3+$0xFFFFFF60]  }
0x64: {  	s18 =	simm.s32 $0x500;
	v4 =	vld [tilespmem:s3+$0xFFFFFF70]  }
0x65: {  	v5 =	vld [tilespmem:s18+$0xFFFFFF70]  }
0x66: {  	v6 =	vld [tilespmem:s18+$0xFFFFFF60]  }
0x67: {  	v1 =	vld [tilespmem:s3+$0xA0]  }
0x68: {  	v2 =	vld [tilespmem:s3+$0xB0]  }
0x69: {  	v7 =	vld [tilespmem:s3+$0x70]  }
0x6a: {  	v8 =	vld [tilespmem:s3+$0x60]  }
0x6b: {  	v9 =	vld [tilespmem:s3+$0x30]  }
0x6c: {  	v10 =	vld [tilespmem:s3+$0x20]  }
0x6d: {  	v11 =	vld [tilespmem:s3+$0xFFFFFFD0]  }
0x6e: {  	v12 =	vld [tilespmem:s18+$0xFFFFFFD0]  }
0x6f: {  	v13 =	vld [tilespmem:s3+$0xFFFFFFE0]  }
0x70: {  	v14 =	vld [tilespmem:s3+$0xFFFFFFF0]  }
0x71: {  	v15 =	vld [tilespmem:s3+$0xFFFFFFB0]  }
0x72: {  	v16 =	vld [tilespmem:s18+$0xFFFFFF10]  }
0x73: {  	v17 =	vld [tilespmem:s3+$0xFFFFFF40]  }
0x74: {  	v18 =	vld [tilespmem:s3+$0xFFFFFF10]  }
0x75: {  	v19 =	vld [tilespmem:s3+$0xFFFFFF30]  }
0x76: {  	v20 =	vld [tilespmem:s3+$0xFFFFFF20]  }
0x77: {  	v21 =	vld [tilespmem:s18+$0xFFFFFF30]  }
0x78: {  	v22 =	vld [tilespmem:s3+$0xFFFFFF00]  }
0x79: {  	v23 =	vld [tilespmem:s18+$0xFFFFFF00]  }
0x7a: {  	v24 =	vld [tilespmem:s18+$0xFFFFFF20]  }
0x7b: {  	v25 =	vld [tilespmem:s3+$0xFFFFFF50]  }
0x7c: {  	v26 =	vld [tilespmem:s18+$0xFFFFFF50]  }
0x7d: {  	v27 =	vld [tilespmem:s18+$0xFFFFFF40]  }
0x7e: {  	v28 =	vld [tilespmem:s3+$0xFFFFFFA0]  }
0x7f: {  	v29 =	vld [tilespmem:s18+$0xFFFFFFB0]  }
0x80: {  	v30 =	vld [tilespmem:s3+$0xFFFFFF90]  }
0x81: {  	v31 =	vld [tilespmem:s3+$0xFFFFFF80]  }
0x82: {  	v32 =	vld [tilespmem:s18+$0xFFFFFF90]  }
0x83: {  	v33 =	vld [tilespmem:s18+$0xFFFFFF80]  }
0x84: {  	v34 =	vld [tilespmem:s18+$0xFFFFFFA0]  }
0x85: {  	s28 =	simm.s32 $0x0;
	v35 =	vld [tilespmem:s3+$0xFFFFFFC0]  }
0x86: {  	v61 =	vld [tilespmem:s28+$0x8400];
	v4 =	vmul.f32 v4, v5;
	v3 =	vmul.f32 v3, v6  }
0x87: {  	v62 =	vld [tilespmem:s18+$0xFFFFFFC0]  }
0x88: {  	v63 =	vld [tilespmem:s18+$0xFFFFFFF0];
	v3 =	vadd.f32 v4, v3  }
0x89: {  	v36 =	vld [tilespmem:s18+$0x10];
	v6 =	vmul.f32 v18, v16;
	v60 =	vmul.f32 v22, v23  }
0x8a: {  	v37 =	vld [tilespmem:s18+$0x0];
	v19 =	vmul.f32 v19, v21;
	v4 =	vmul.f32 v20, v24;
	(xrf2) =	vadd.scan.msk.f32 $0xffff, v3  }
0x8b: {  	v39 =	vld [tilespmem:s18+$0x30];
	v6 =	vadd.f32 v6, v60  }
0x8c: {  	v40 =	vld [tilespmem:s18+$0x20];
	v26 =	vmul.f32 v25, v26;
	v17 =	vmul.f32 v17, v27;
	v3 =	vadd.f32 v19, v4  }
0x8d: {  	v43 =	vld [tilespmem:s3+$0x40];
	(xrf2) =	vadd.scan.msk.f32 $0xffff, v6  }
0x8e: {  	v32 =	vmul.f32 v30, v32;
	v33 =	vmul.f32 v31, v33;
	v17 =	vadd.f32 v26, v17;
	v4 =	vld [tilespmem:s18+$0xFFFFFFE0];
	(xrf2) =	vadd.scan.msk.f32 $0xffff, v3  }
0x8f: {  	v38 =	vmul.f32 v28, v34;
	v15 =	vmul.f32 v15, v29;
	v6 =	vld [tilespmem:s3+$0x10]  }
0x90: {  	v11 =	vmul.f32 v11, v12;
	v42 =	vmul.f32 v35, v62;
	v19 =	vadd.f32 v32, v33;
	v3 =	vld [tilespmem:s3+$0x0];
	(xrf2) =	vadd.scan.msk.f32 $0xffff, v17  }
0x91: {  	v5 =	vld [tilespmem:s28+$0x8600];
	v15 =	vadd.f32 v15, v38  }
0x92: {  	v46 =	vld [tilespmem:s18+$0x40];
	v11 =	vadd.f32 v11, v42;
	(xrf2) =	vadd.scan.msk.f32 $0xffff, v19  }
0x93: {  	v41 =	vld [tilespmem:s3+$0x50];
	v14 =	vmul.f32 v14, v63;
	v4 =	vmul.f32 v13, v4;
	(xrf2) =	vadd.scan.msk.f32 $0xffff, v15  }
0x94: {  	v44 =	vld [tilespmem:s18+$0x50];
	v45, _, _ =	vpop (xrf2);
	(xrf2) =	vadd.scan.msk.f32 $0xffff, v11  }
0x95: {  	v48 =	vld [tilespmem:s18+$0x70];
	v6 =	vmul.f32 v6, v36;
	v4 =	vadd.f32 v14, v4;
	v3 =	vmul.f32 v3, v37  }
0x96: {  	v51 =	vld [tilespmem:s18+$0x90];
	v5 =	vadd.f32 v5, v61  }
0x97: {  	v9 =	vmul.f32 v9, v39;
	v12 =	vmul.f32 v43, v46;
	v3 =	vadd.f32 v6, v3;
	v11 =	vld [tilespmem:s18+$0x60];
	v47, _, _ =	vpop (xrf2);
	(xrf2) =	vadd.scan.msk.f32 $0xffff, v4  }
0x98: {  	v5 =	vadd.f32 v5, v0;
	v6 =	vmul.f32 v10, v40;
	v10 =	vld [tilespmem:s3+$0x80];
	v49, _, _ =	vpop (xrf2);
	v16 =	vbroadcast v47, $0xF  }
0x99: {  	v13 =	vmul.f32 v41, v44;
	(xrf2) =	vadd.scan.msk.f32 $0xffff, v3;
	v3 =	vld [tilespmem:s18+$0x80];
	v18 =	vbroadcast v49, $0xF  }
0x9a: {  	v52 =	vld [tilespmem:s18+$0xB0];
	v7 =	vmul.f32 v7, v48;
	v6 =	vadd.f32 v9, v6;
	v50, _, _ =	vpop (xrf2);
	v16 =	vadd.f32 v16, v5  }
0x9b: {  	v12 =	vadd.f32 v13, v12;
	v4 =	vld [tilespmem:s3+$0x90];
	v20 =	vbroadcast v50, $0xF;
	v18 =	vadd.f32 v18, v5  }
0x9c: {  	v15 =	vbroadcast v45, $0xF;
	(xrf2) =	vadd.scan.msk.f32 $0xffff, v6;
	v6 =	vld [tilespmem:s18+$0xA0];
	v9, _, _ =	vpop (xrf2);
	v8 =	vmul.f32 v8, v11;
	v5 =	vsel vm0, v16, v5  }
0x9d: {  	v54 =	vld [tilespmem:s3+$0xD0];
	v9 =	vbroadcast v9, $0xF;
	v53, _, _ =	vpop (xrf2);
	v20 =	vadd.f32 v20, v5;
	v5 =	vsel vm1, v5, v18  }
0x9e: {  	v56 =	vld [tilespmem:s3+$0xC0];
	v7 =	vadd.f32 v7, v8;
	v3 =	vmul.f32 v10, v3;
	v15 =	vadd.f32 v15, v5;
	v58, _, _ =	vpop (xrf2);
	(xrf2) =	vadd.scan.msk.f32 $0xffff, v12  }
0x9f: {  	v57 =	vld [tilespmem:s18+$0xD0];
	v55 =	vsel vm2, v5, v20;
	v5 =	vadd.f32 v9, v5;
	v9 =	vbroadcast v53, $0xF  }
0xa0: {  	v59 =	vld [tilespmem:s18+$0xC0];
	v4 =	vmul.f32 v4, v51;
	v11 =	vsel vm3, v55, v15;
	v8 =	vbroadcast v58, $0xF  }
0xa1: {  	v6 =	vmul.f32 v1, v6;
	v1 =	vld [tilespmem:s3+$0xF0];
	v9 =	vadd.f32 v9, v11;
	v60, _, _ =	vpop (xrf2);
	v5 =	vsel vm4, v11, v5;
	(xrf2) =	vadd.scan.msk.f32 $0xffff, v7  }
0xa2: {  	v61 =	vadd.f32 v4, v3;
	v11 =	vmul.f32 v2, v52;
	v2 =	vld [tilespmem:s3+$0xE0];
	v8 =	vadd.f32 v8, v5  }
0xa3: {  	v10 =	vbroadcast v60, $0xF;
	v3, _, _ =	vpop (xrf2);
	v9 =	vsel vm5, v5, v9;
	v5 =	vld [tilespmem:s18+$0xF0]  }
0xa4: {  	(xrf2) =	vadd.scan.msk.f32 $0xffff, v61;
	v11 =	vadd.f32 v11, v6;
	v6 =	vbroadcast v3, $0xF;
	v3 =	vsel vm6, v9, v8;
	v8 =	vld [tilespmem:s18+$0xE0]  }
0xa5: {  	v62 =	vmul.f32 v54, v57;
	v63 =	vmul.f32 v56, v59  }
0xa6: {  	v7, _, _ =	vpop (xrf2);
	v4 =	vadd.f32 v10, v9  }
0xa7: {  	s29 =	simm.s32 $0x40;
	v7 =	vbroadcast v7, $0xF;
	v6 =	vadd.f32 v6, v9;
	v9 =	vadd.f32 v62, v63;
	(xrf2) =	vadd.scan.msk.f32 $0xffff, v11  }
.LBB2_2:
0xa8: {  	p0 =	sne.s32 s29, $0x7C0;
	s18 =	sadd.s32 $0x200, s18;
	s3 =	sadd.s32 $0x200, s3;
	v10, _, _ =	vpop (xrf2)  }
0xa9: {  	v1 =	vmul.f32 v1, v5;
	s31 =	smov.u32 s29;
	s29 =	sadd.s32 $0x40, s29;
	v8 =	vmul.f32 v2, v8  }
0xaa: {  	v3 =	vsel vm7, v3, v4;
	(xrf2) =	vadd.scan.msk.f32 $0xffff, v9  }
0xab: {  	v4 =	vadd.f32 v7, v3;
	v5 =	vbroadcast v10, $0xF;
	v1 =	vadd.f32 v1, v8;
	v2, _, _ =	vpop (xrf2)  }
0xac: {  	v3 =	vsel vm8, v3, v6;
	v6 =	vbroadcast v2, $0xF  }
0xad: {  	v4 =	vsel vm9, v3, v4;
	v3 =	vadd.f32 v5, v3;
	(xrf2) =	vadd.scan.msk.f32 $0xffff, v1  }
0xae: {  	v1 =	vadd.f32 v6, v4;
	v2, _, _ =	vpop (xrf2)  }
0xaf: {  	v3 =	vsel vm10, v4, v3;
	_ =	sdelay $0x1  }
0xb0: {  	v2 =	vbroadcast v2, $0xF;
	v5, _, _ =	vpop (xrf2)  }
0xb1: {  	v5 =	vbroadcast v5, $0xF  }
0xb2: {  	v1 =	vsel vm11, v3, v1;
	v2 =	vadd.f32 v2, v4  }
0xb3: {  	v5 =	vadd.f32 v5, v1;
	v4, _, _ =	vpop (xrf2)  }
0xb4: {  	v4 =	vbroadcast v4, $0xF  }
0xb5: {  	v1 =	vsel vm12, v1, v2  }
0xb6: {  	v2 =	vsel vm13, v1, v5;
	v1 =	vadd.f32 v4, v1;
	v3, _, _ =	vpop (xrf2)  }
0xb7: {  	v3 =	vadd.f32 v3, v2  }
0xb8: {  	v1 =	vsel vm14, v2, v1  }
0xb9: {  	v1 =	vsel vm15, v1, v3  }
0xba: {  	[tilespmem:s28+$0x8800] =	vst v1  }
0xbb: {  	v5 =	vld [tilespmem:s3+$0xFFFFFF60]  }
0xbc: {  	v4 =	vld [tilespmem:s3+$0xFFFFFF70]  }
0xbd: {  	v6 =	vld [tilespmem:s18+$0xFFFFFF70]  }
0xbe: {  	v7 =	vld [tilespmem:s18+$0xFFFFFF60]  }
0xbf: {  	v1 =	vld [tilespmem:s3+$0xA0]  }
0xc0: {  	v2 =	vld [tilespmem:s3+$0xB0]  }
0xc1: {  	v3 =	vld [tilespmem:s3+$0x70]  }
0xc2: {  	v6 =	vmul.f32 v4, v6;
	v4 =	vld [tilespmem:s3+$0x60]  }
0xc3: {  	v5 =	vmul.f32 v5, v7;
	v7 =	vld [tilespmem:s3+$0x30]  }
0xc4: {  	v8 =	vld [tilespmem:s3+$0x20]  }
0xc5: {  	v5 =	vadd.f32 v6, v5;
	v6 =	vld [tilespmem:s3+$0xFFFFFFD0]  }
0xc6: {  	v9 =	vld [tilespmem:s18+$0xFFFFFFD0]  }
0xc7: {  	v10 =	vld [tilespmem:s3+$0xFFFFFFE0];
	(xrf2) =	vadd.scan.msk.f32 $0xffff, v5  }
0xc8: {  	v5 =	vld [tilespmem:s3+$0xFFFFFFF0]  }
0xc9: {  	v11 =	vld [tilespmem:s3+$0xFFFFFFB0]  }
0xca: {  	v12 =	vld [tilespmem:s18+$0xFFFFFF10]  }
0xcb: {  	v13 =	vld [tilespmem:s3+$0xFFFFFF40]  }
0xcc: {  	v14 =	vld [tilespmem:s3+$0xFFFFFF10]  }
0xcd: {  	v15 =	vld [tilespmem:s3+$0xFFFFFF30]  }
0xce: {  	v16 =	vld [tilespmem:s3+$0xFFFFFF20]  }
0xcf: {  	v17 =	vld [tilespmem:s18+$0xFFFFFF30]  }
0xd0: {  	v18 =	vld [tilespmem:s3+$0xFFFFFF00]  }
0xd1: {  	v19 =	vld [tilespmem:s18+$0xFFFFFF00];
	v12 =	vmul.f32 v14, v12;
	v14, _, _ =	vpop (xrf2)  }
0xd2: {  	v20 =	vld [tilespmem:s18+$0xFFFFFF20]  }
0xd3: {  	v21 =	vld [tilespmem:s3+$0xFFFFFF50]  }
0xd4: {  	v22 =	vld [tilespmem:s18+$0xFFFFFF50]  }
0xd5: {  	v23 =	vld [tilespmem:s18+$0xFFFFFF40]  }
0xd6: {  	v18 =	vmul.f32 v18, v19;
	v19 =	vld [tilespmem:s3+$0xFFFFFFA0]  }
0xd7: {  	v15 =	vmul.f32 v15, v17;
	v16 =	vmul.f32 v16, v20;
	v17 =	vld [tilespmem:s18+$0xFFFFFFB0]  }
0xd8: {  	v12 =	vadd.f32 v12, v18;
	v18 =	vld [tilespmem:s3+$0xFFFFFF90]  }
0xd9: {  	v15 =	vadd.f32 v15, v16;
	v16 =	vmul.f32 v21, v22;
	v20 =	vld [tilespmem:s3+$0xFFFFFF80]  }
0xda: {  	v13 =	vmul.f32 v13, v23;
	v21 =	vld [tilespmem:s18+$0xFFFFFF90];
	(xrf2) =	vadd.scan.msk.f32 $0xffff, v12  }
0xdb: {  	v12 =	vld [tilespmem:s18+$0xFFFFFF80]  }
0xdc: {  	v13 =	vadd.f32 v16, v13;
	v16 =	vld [tilespmem:s18+$0xFFFFFFA0]  }
0xdd: {  	s28 =	sshra.s32 s31, $0x2;
	v22 =	vld [tilespmem:s3+$0xFFFFFFC0];
	(xrf2) =	vadd.scan.msk.f32 $0xffff, v15  }
0xde: {  	v15 =	vld [tilespmem:s28+$0x8600]  }
0xdf: {  	v23 =	vld [tilespmem:s28+$0x8400];
	v18 =	vmul.f32 v18, v21  }
0xe0: {  	v12 =	vmul.f32 v20, v12;
	v20 =	vld [tilespmem:s18+$0xFFFFFFC0];
	(xrf2) =	vadd.scan.msk.f32 $0xffff, v13  }
0xe1: {  	v11 =	vmul.f32 v11, v17;
	v13 =	vmul.f32 v19, v16;
	v16 =	vld [tilespmem:s18+$0xFFFFFFF0]  }
0xe2: {  	v12 =	vadd.f32 v18, v12;
	v17 =	vld [tilespmem:s18+$0xFFFFFFE0]  }
0xe3: {  	v11 =	vadd.f32 v11, v13;
	v13 =	vld [tilespmem:s3+$0x10]  }
0xe4: {  	v6 =	vmul.f32 v6, v9;
	v15 =	vadd.f32 v15, v23;
	v9 =	vld [tilespmem:s3+$0x0];
	v18, _, _ =	vpop (xrf2);
	(xrf2) =	vadd.scan.msk.f32 $0xffff, v12  }
0xe5: {  	v12 =	vbroadcast v18, $0xF;
	v20 =	vmul.f32 v22, v20;
	v19 =	vld [tilespmem:s18+$0x10]  }
0xe6: {  	v15 =	vadd.f32 v15, v0;
	v5 =	vmul.f32 v5, v16;
	v16 =	vld [tilespmem:s18+$0x0]  }
0xe7: {  	v6 =	vadd.f32 v6, v20;
	v10 =	vmul.f32 v10, v17;
	v17 =	vld [tilespmem:s18+$0x30];
	v18, _, _ =	vpop (xrf2);
	(xrf2) =	vadd.scan.msk.f32 $0xffff, v11  }
0xe8: {  	v11 =	vadd.f32 v12, v15;
	v12 =	vld [tilespmem:s18+$0x20]  }
0xe9: {  	v5 =	vadd.f32 v5, v10;
	v10 =	vld [tilespmem:s3+$0x50]  }
0xea: {  	v18 =	vbroadcast v18, $0xF;
	v13 =	vmul.f32 v13, v19;
	v19 =	vld [tilespmem:s3+$0x40];
	v20, _, _ =	vpop (xrf2);
	(xrf2) =	vadd.scan.msk.f32 $0xffff, v6  }
0xeb: {  	v6 =	vbroadcast v20, $0xF;
	v9 =	vmul.f32 v9, v16;
	v16 =	vld [tilespmem:s18+$0x50]  }
0xec: {  	v11 =	vsel vm0, v11, v15;
	v7 =	vmul.f32 v7, v17;
	v17 =	vld [tilespmem:s18+$0x40]  }
0xed: {  	v6 =	vadd.f32 v6, v11;
	v9 =	vadd.f32 v13, v9;
	v8 =	vmul.f32 v8, v12;
	v12 =	vld [tilespmem:s18+$0x70];
	(xrf2) =	vadd.scan.msk.f32 $0xffff, v5  }
0xee: {  	v5 =	vld [tilespmem:s18+$0x60];
	v13, _, _ =	vpop (xrf2)  }
0xef: {  	v15 =	vadd.f32 v18, v15;
	v7 =	vadd.f32 v7, v8;
	v8 =	vld [tilespmem:s3+$0x90]  }
0xf0: {  	v14 =	vbroadcast v14, $0xF;
	v13 =	vbroadcast v13, $0xF;
	v18 =	vld [tilespmem:s3+$0x80];
	(xrf2) =	vadd.scan.msk.f32 $0xffff, v9  }
0xf1: {  	v9 =	vsel vm1, v11, v15;
	v10 =	vmul.f32 v10, v16;
	v17 =	vmul.f32 v19, v17;
	v15 =	vld [tilespmem:s18+$0x90];
	v16, _, _ =	vpop (xrf2)  }
0xf2: {  	v6 =	vsel vm2, v9, v6;
	v14 =	vadd.f32 v14, v9;
	v9 =	vadd.f32 v13, v9;
	v13 =	vld [tilespmem:s18+$0x80]  }
0xf3: {  	v16 =	vbroadcast v16, $0xF;
	v10 =	vadd.f32 v10, v17;
	v4 =	vmul.f32 v4, v5;
	v5 =	vld [tilespmem:s18+$0xB0];
	(xrf2) =	vadd.scan.msk.f32 $0xffff, v7  }
0xf4: {  	v3 =	vmul.f32 v3, v12;
	v6 =	vsel vm3, v6, v14;
	v7 =	vld [tilespmem:s18+$0xA0];
	v11, _, _ =	vpop (xrf2)  }
0xf5: {  	v12 =	vadd.f32 v16, v6;
	v14 =	vld [tilespmem:s3+$0xD0]  }
0xf6: {  	v3 =	vadd.f32 v3, v4;
	v4 =	vmul.f32 v8, v15;
	v15 =	vld [tilespmem:s3+$0xC0];
	(xrf2) =	vadd.scan.msk.f32 $0xffff, v10  }
0xf7: {  	v8 =	vbroadcast v11, $0xF;
	v10 =	vmul.f32 v18, v13;
	v11 =	vld [tilespmem:s18+$0xD0];
	v13, _, _ =	vpop (xrf2)  }
0xf8: {  	v6 =	vsel vm4, v6, v9;
	v9 =	vbroadcast v13, $0xF;
	v5 =	vmul.f32 v2, v5;
	v13 =	vld [tilespmem:s18+$0xC0]  }
0xf9: {  	v8 =	vadd.f32 v8, v6;
	v10 =	vadd.f32 v4, v10;
	v4 =	vmul.f32 v1, v7;
	v1 =	vld [tilespmem:s3+$0xF0];
	(xrf2) =	vadd.scan.msk.f32 $0xffff, v3  }
0xfa: {  	v2 =	vld [tilespmem:s3+$0xE0];
	v7, _, _ =	vpop (xrf2)  }
.Ltmp0:
0xfb: {  	v6 =	vsel vm5, v6, v12;
	v12 =	vadd.f32 v5, v4;
	v5 =	vld [tilespmem:s18+$0xF0];
	(pc) =	sbr.rel @p0 .LBB2_2-.Ltmp0, $4  }
0xfc: {  	v3 =	vsel vm6, v6, v8;
	v4 =	vadd.f32 v9, v6;
	v9 =	vmul.f32 v14, v11;
	v8 =	vld [tilespmem:s18+$0xE0];
	(xrf2) =	vadd.scan.msk.f32 $0xffff, v10  }
0xfd: {  	v10 =	vbroadcast v7, $0xF;
	v11 =	vmul.f32 v15, v13;
	v7, _, _ =	vpop (xrf2)  }
0xfe: {  	v7 =	vbroadcast v7, $0xF  }
0xff: {  	v6 =	vadd.f32 v10, v6;
	v9 =	vadd.f32 v9, v11;
	(xrf2) =	vadd.scan.msk.f32 $0xffff, v12  }
0x100: {  	_ = 	snop  }
0x101: {  	v1 =	vmul.f32 v1, v5;
	v0 =	vmul.f32 v2, v8  }
0x102: {  	(xrf2) =	vadd.scan.msk.f32 $0xffff, v9  }
0x103: {  	v0 =	vadd.f32 v1, v0;
	_ =	sdelay $0x1  }
0x104: {  	(xrf2) =	vadd.scan.msk.f32 $0xffff, v0  }
0x105: {  	v56, _, _ =	vpop (xrf2);
	v57 =	vsel vm7, v3, v4  }
0x106: {  	v3 =	vadd.f32 v7, v57;
	v58, _, _ =	vpop (xrf2);
	v0 =	vbroadcast v56, $0xF  }
0x107: {  	v1 =	vsel vm8, v57, v6;
	v2 =	vbroadcast v58, $0xF  }
0x108: {  	v3 =	vsel vm9, v1, v3;
	v59, _, _ =	vpop (xrf2);
	v0 =	vadd.f32 v0, v1  }
0x109: {  	v2 =	vadd.f32 v2, v3;
	v1 =	vbroadcast v59, $0xF;
	v60, _, _ =	vpop (xrf2)  }
0x10a: {  	v0 =	vsel vm10, v3, v0;
	v4 =	vbroadcast v60, $0xF  }
0x10b: {  	v1 =	vadd.f32 v1, v3;
	v0 =	vsel vm11, v0, v2;
	v61, _, _ =	vpop (xrf2)  }
0x10c: {  	v62 =	vadd.f32 v4, v0;
	v2 =	vbroadcast v61, $0xF  }
0x10d: {  	v0 =	vsel vm12, v0, v1  }
0x10e: {  	v1 =	vsel vm13, v0, v62;
	v0 =	vadd.f32 v2, v0;
	v63, _, _ =	vpop (xrf2)  }
0x10f: {  	v2 =	vadd.f32 v63, v1  }
0x110: {  	s0 =	sadd.s32 $0x1, s0;
	v0 =	vsel vm14, v1, v0  }
0x111: {  	p0 =	sne.s32 s0, s17;
	v0 =	vsel vm15, v0, v2  }
.Ltmp1:
0x112: {  	s3 =	simm.s32 $0x8800;
	[tilespmem:s28+$0x8800] =	vst v0;
	(pc) =	sbr.rel @p0 .LBB2_1-.Ltmp1, $4  }
0x113: {  	[hbm4b:s16+s2] =	stream.linear.scatter [tilespmem:s3], [sflag:$0x2], $0x200, $0x38;
	[tilespmem:$0x8A10] =	vst v63  }
0x114: {  	_ =	swait.ge [sflag:s19], $0x200  }
0x115: {  	[sflag:s19] =	ssyncset.done $0x0  }
0x116: {  	[sflag:s19] =	ssyncadd.s32 $0xFFFFFE00  }
0x117: {  	_ =	sfence.sel $0x180000  }
0x118: {  	[bflag:$0x0] =	sbarrier.arrive $0xFFFF  }
0x119: {  	_ =	strace $0x90000047  }
0x11a: {  	s0 =	stileid.u32;
	[bflag:$0x2] =	sbarrier.arrive $0xFFFF  }
0x11b: {  	p0 =	sne.s32 s0, $0x0;
	s0 =	rddreg [dreg:$0x4]  }
0x11c: {  	s0 =	sadd.s32 @!p0 $0x100000, s0  }
0x11d: {  	[sflag:s0] =	ssyncadd.tile.s32 @!p0 $0x1;
	_ =	shalt  }
.Lfunc_end2:
_tile_overlayer_lowered:
.L_overlay_start_2:
0x11e: {  	(tag) =	ssettag $0x2  }
0x11f: {  	s0 =	rddreg [dreg:$0x0];
	s2 =	stileid.u32  }
0x120: {  	s1 =	rddreg [dreg:$0x1];
	p0 =	sne.s32 s2, $0x0  }
0x121: {  	s3 =	rddreg [dreg:$0x2];
	[bflag:$0x3] =	sbarrier.arrive $0xFFFF;
	s2 =	simm.s32 @!p0 $0x1C02  }
0x122: {  	[timem:s3], [sflag:s2] =	dma.local @!p0 [hbm:s0], s1  }
0x123: {  	s0 =	simm.s32 @!p0 $0x2  }
0x124: {  	_ =	swait.ge @!p0 [sflag:s0], s1  }
0x125: {  	s1 =	ssub.s32 @!p0 $0x0, s1;
	[sflag:s0] =	ssyncset.done @!p0 $0x0  }
0x126: {  	[sflag:s0] =	ssyncadd.s32 @!p0 s1  }
0x127: {  	[bflag:$0x3] =	sbarrier.arrive $0xFFFF  }
0x128: {  	_ =	shalt  }

</sc_bundles>
